<compile_context>
chip_gen: v7x
topology: tpu7x:2x2x1
jax: 0.10.2.dev20260603
libtpu: 0.0.44.dev20260713+nightly
codegen_flags: <defaults>
</compile_context>

<pallas_src>
import functools

import jax
import jax.numpy as jnp
from jax import lax
from jax.experimental import pallas as pl
from jax.experimental.pallas import tpu as pltpu
from jax.experimental.pallas import tpu_sc as plsc

EPS = 1e-8
TAU = 1.5
LC, LS, LA = 0.1, 0.05, 0.01
K = 8
NEG = -1e30
BIG = 2 ** 30
LOG2 = 0.6931471805599453

def _gbar_body(g_ref, gbar_ref, entg_ref, tab_ref):
    g = g_ref[...]
    gb = jnp.clip(jnp.mean(g, axis=0, keepdims=True), EPS, None)
    gbar_ref[...] = gb
    entg_ref[...] = jnp.sum(gb * jnp.log(gb), axis=1, keepdims=True)
    pc = jnp.clip(g, EPS, None)
    ent = jnp.sum(pc * jnp.log(pc), axis=1, keepdims=True)
    e = g.shape[1]
    tab_ref[...] = jnp.concatenate(
        [pc, jnp.broadcast_to(ent, (g.shape[0], e))], axis=1)


def _gbar(gates):
    n, e = gates.shape
    return pl.pallas_call(
        _gbar_body,
        out_shape=(jax.ShapeDtypeStruct((1, e), jnp.float32),
                   jax.ShapeDtypeStruct((1, 1), jnp.float32),
                   jax.ShapeDtypeStruct((n, 2 * e), jnp.float32)),
    )(gates)


def _topk_body(bm, n, z_ref, val_ref, idx_ref, zn_ref, sim_ref):
    i = pl.program_id(0)

    @pl.when(i == 0)
    def _():
        z = z_ref[...]
        nrm = jnp.sqrt(jnp.sum(z * z, axis=1, keepdims=True))
        zn_ref[...] = z / jnp.maximum(nrm, 1e-12)

    zl = zn_ref[pl.ds(i * bm, bm), :]
    sim_ref[...] = lax.dot_general(zl, zn_ref[...], (((1,), (1,)), ((), ())),
                                   preferred_element_type=jnp.float32)
    sub = sim_ref[:, pl.ds(i * bm, bm)]
    rloc = lax.broadcasted_iota(jnp.int32, (bm, bm), 0)
    cloc = lax.broadcasted_iota(jnp.int32, (bm, bm), 1)
    sim_ref[:, pl.ds(i * bm, bm)] = jnp.where(rloc == cloc, 0.0, sub)

    half = n // 2
    w = sim_ref[...]
    a = w[:, :half]
    b = w[:, half:]
    colf = lax.broadcasted_iota(jnp.int32, (1, half), 1).astype(jnp.float32)
    mx = jnp.maximum(a, b)
    mn = jnp.minimum(a, b)
    pmx = jnp.where(a >= b, colf, colf + half)
    m = jnp.max(mx, axis=1, keepdims=True)
    mvals, mpos, mpart = [], [], []
    for _ in range(K):
        c = mx == m
        mpos.append(jnp.min(jnp.where(c, pmx, 2e9), axis=1, keepdims=True))
        mpart.append(jnp.max(jnp.where(c, mn, NEG), axis=1, keepdims=True))
        mvals.append(m)
        mx = jnp.where(c, NEG, mx)
        m = jnp.max(mx, axis=1, keepdims=True)
    pp = jnp.concatenate(mpos, axis=1)
    ppart = jnp.where(pp < half, pp + half, pp - half)
    cv = jnp.concatenate(mvals + mpart, axis=1)
    ci = jnp.concatenate([pp, ppart], axis=1)
    colf16 = lax.broadcasted_iota(jnp.int32, (1, 2 * K), 1).astype(jnp.float32)
    vals, idxs = [], []
    for _ in range(K):
        m2 = jnp.max(cv, axis=1, keepdims=True)
        s = jnp.min(jnp.where(cv == m2, colf16, 2e9), axis=1, keepdims=True)
        sel = colf16 == s
        vals.append(m2)
        idxs.append(jnp.sum(jnp.where(sel, ci, 0.0), axis=1, keepdims=True))
        cv = jnp.where(sel, NEG, cv)
    val_ref[...] = jnp.concatenate(vals, axis=1)
    idx_ref[...] = jnp.concatenate(idxs, axis=1).astype(jnp.int32)


def _knn_top8(z):
    n, d = z.shape
    bm = 256
    return pl.pallas_call(
        functools.partial(_topk_body, bm, n),
        grid=(n // bm,),
        in_specs=[pl.BlockSpec((n, d), lambda i: (0, 0))],
        out_specs=(pl.BlockSpec((bm, K), lambda i: (i, 0)),
                   pl.BlockSpec((bm, K), lambda i: (i, 0))),
        out_shape=(jax.ShapeDtypeStruct((n, K), jnp.float32),
                   jax.ShapeDtypeStruct((n, K), jnp.int32)),
        scratch_shapes=[pltpu.VMEM((n, d), jnp.float32),
                        pltpu.VMEM((bm, n), jnp.float32)],
        compiler_params=pltpu.CompilerParams(
            dimension_semantics=("arbitrary",)),
    )(z)


def _gather_rows(table, idx):
    b = idx.shape[0]
    v, e = table.shape
    nw = 32
    chunk = 128
    b_per_w = b // nw
    nch = b_per_w // chunk
    mesh = plsc.VectorSubcoreMesh(core_axis_name="c", subcore_axis_name="s")

    @functools.partial(
        pl.kernel, mesh=mesh,
        out_type=jax.ShapeDtypeStruct((b, e), jnp.float32),
        scratch_types=[pltpu.VMEM((chunk,), jnp.int32),
                       pltpu.VMEM((chunk,), jnp.int32),
                       pltpu.VMEM((chunk, e), jnp.float32),
                       pltpu.VMEM((chunk, e), jnp.float32),
                       pltpu.SemaphoreType.DMA,
                       pltpu.SemaphoreType.DMA],
    )
    def gather_k(table_hbm, idx_hbm, out_hbm, idx0, idx1, rows0, rows1,
                 sem0, sem1):
        wid = lax.axis_index("s") * 2 + lax.axis_index("c")
        base = wid * b_per_w
        idx_v = (idx0, idx1)
        rows_v = (rows0, rows1)
        sems = (sem0, sem1)
        pltpu.sync_copy(idx_hbm.at[pl.ds(base, chunk)], idx0)
        pend = [pltpu.async_copy(table_hbm.at[idx0], rows0, sem0)]
        for c in range(nch):
            if c + 1 < nch:
                nb = (c + 1) % 2
                pltpu.sync_copy(
                    idx_hbm.at[pl.ds(base + (c + 1) * chunk, chunk)],
                    idx_v[nb])
                pend.append(pltpu.async_copy(table_hbm.at[idx_v[nb]],
                                             rows_v[nb], sems[nb]))
            pend.pop(0).wait()
            pltpu.sync_copy(rows_v[c % 2],
                            out_hbm.at[pl.ds(base + c * chunk, chunk)])

    return gather_k(table, idx)


def _loss_body(bm, n, e, t_ref, gj_ref, kv_ref, ti_ref, gbar_ref, entg_ref,
               out_ref, coh_s, ali_s, cnt_s):
    i = pl.program_id(0)
    ni = pl.num_programs(0)

    @pl.when(i == 0)
    def _():
        coh_s[...] = jnp.zeros((1, 1), jnp.float32)
        ali_s[...] = jnp.zeros((1, 1), jnp.float32)
        cnt_s[...] = jnp.zeros((1, e), jnp.float32)

    tab = t_ref[...]
    p = tab[:, :e]
    entp = tab[:, e:e + 1]
    gjt = gj_ref[...]
    q = gjt[:, :e]
    entq = gjt[:, e:e + 1].reshape(bm, K)
    s = p[:, None, :] + q.reshape(bm, K, e)
    slogs = jnp.sum(s * jnp.log(s), axis=2)
    ssum = jnp.sum(s, axis=2)
    js = 0.5 * (entp + entq - slogs + LOG2 * ssum)
    coh_s[...] += jnp.sum(kv_ref[...] * js, keepdims=True).reshape(1, 1)

    gb = gbar_ref[...]
    s2 = p + gb
    slogs2 = jnp.sum(s2 * jnp.log(s2), axis=1, keepdims=True)
    ssum2 = jnp.sum(s2, axis=1, keepdims=True)
    js2 = 0.5 * (entp + entg_ref[...] - slogs2 + LOG2 * ssum2)
    ali_s[...] += jnp.sum(js2, keepdims=True).reshape(1, 1)

    t0 = ti_ref[...][:, 0:1]
    eids = lax.broadcasted_iota(jnp.int32, (1, e), 1)
    cnt_s[...] += jnp.sum(jnp.where(t0 == eids, 1.0, 0.0), axis=0,
                          keepdims=True)

    @pl.when(i == ni - 1)
    def _():
        l_coh = coh_s[...] / (n * K)
        l_ali = ali_s[...] / n
        cnts = cnt_s[...]
        n_bar = jnp.maximum(jnp.sum(cnts, keepdims=True) / e, EPS)
        over = cnts / n_bar - TAU
        l_sep = jnp.sum(jnp.maximum(over, 0.0) ** 2, keepdims=True) / e
        loss = LC * l_coh + LS * l_sep + LA * l_ali
        out_ref[...] = jnp.concatenate([l_coh, l_sep, l_ali, loss], axis=1)


def _losses(table, gj, knn_val, topk_idx, gbar, entg):
    n = table.shape[0]
    e = table.shape[1] // 2
    bm = 1024
    return pl.pallas_call(
        functools.partial(_loss_body, bm, n, e),
        grid=(n // bm,),
        in_specs=[pl.BlockSpec((bm, 2 * e), lambda i: (i, 0)),
                  pl.BlockSpec((bm * K, 2 * e), lambda i: (i, 0)),
                  pl.BlockSpec((bm, K), lambda i: (i, 0)),
                  pl.BlockSpec((bm, K), lambda i: (i, 0)),
                  pl.BlockSpec((1, e), lambda i: (0, 0)),
                  pl.BlockSpec((1, 1), lambda i: (0, 0))],
        out_specs=pl.BlockSpec((1, 4), lambda i: (0, 0)),
        out_shape=jax.ShapeDtypeStruct((1, 4), jnp.float32),
        scratch_shapes=[pltpu.VMEM((1, 1), jnp.float32),
                        pltpu.VMEM((1, 1), jnp.float32),
                        pltpu.VMEM((1, e), jnp.float32)],
        compiler_params=pltpu.CompilerParams(
            dimension_semantics=("arbitrary",)),
    )(table, gj, knn_val, topk_idx, gbar, entg)


def kernel(z, gates_soft, topk_idx, num_experts):
    del num_experts
    gbar, entg, table = _gbar(gates_soft)
    knn_val, knn_idx = _knn_top8(z)
    gj = _gather_rows(table, knn_idx.reshape(-1))
    out = _losses(table, gj, knn_val, topk_idx, gbar, entg)
    return out.reshape(4)

# --- scband reference (transcript-rebuilt; emitter-appended) ---
"""Pipeline reference for scband-boids-router-loss-12936441495903 (READ-ONLY COPY).

The authoritative reference and input builder live on the scoring server;
editing this copy changes nothing except your own understanding.
"""

import jax, jax.numpy as jnp
import numpy as np

LC, LS, LA, K_NN, TAU, EPS = 0.1, 0.05, 0.01, 8, 1.5, 1e-08
N, D, E, K_IDX = 8192, 128, 64, 8


def _js_div(p, q, eps=1e-08):
    p = jnp.clip(p, eps, None)
    q = jnp.clip(q, eps, None)
    m = 0.5 * (p + q)
    kl_pm = (p * jnp.log(p / m)).sum(-1)
    kl_qm = (q * jnp.log(q / m)).sum(-1)
    return 0.5 * (kl_pm + kl_qm)


def setup_inputs(seed: int = 0):
    key = jax.random.key(seed)
    k1, k2, k3 = jax.random.split(key, 3)
    z = jax.random.normal(k1, (N, D), dtype=jnp.float32)
    gates_soft = jax.nn.softmax(jax.random.normal(k2, (N, E), dtype=jnp.float32), axis=-1)
    topk_idx = jax.random.randint(k3, (N, K_IDX), 0, E, dtype=jnp.int32)
    return {"z": z, "gates_soft": gates_soft, "topk_idx": topk_idx, "num_experts": E}


def reference(z, gates_soft, topk_idx, num_experts):
    n, e = gates_soft.shape
    # F.normalize(z, p=2, dim=-1) with default eps=1e-12
    z_norm = z / jnp.clip(jnp.linalg.norm(z, axis=-1, keepdims=True), 1e-12, None)
    sim = z_norm @ z_norm.T
    sim = sim * (1.0 - jnp.eye(n, dtype=sim.dtype))  # fill_diagonal_(0.0)
    k = min(K_NN, max(1, n - 1))
    knn_val, knn_idx = jax.lax.top_k(sim, k)
    gi = jnp.broadcast_to(gates_soft[:, None, :], (n, k, e))
    gj = gates_soft[knn_idx]
    js = _js_div(gi, gj, EPS)
    L_coh = (knn_val * js).mean()
    counts = jnp.zeros(e, dtype=gates_soft.dtype).at[topk_idx[:, 0].reshape(-1)].add(
        jnp.ones_like(topk_idx[:, 0], dtype=gates_soft.dtype))
    n_bar = jnp.clip(counts.mean(), EPS, None)
    over = counts / n_bar - TAU
    L_sep = (jnp.clip(over, 0.0, None) ** 2).mean()
    g_bar = gates_soft.mean(axis=0, keepdims=True)
    L_ali = _js_div(gates_soft, jnp.broadcast_to(g_bar, gates_soft.shape), EPS).mean()
    loss = LC * L_coh + LS * L_sep + LA * L_ali
    return jnp.stack([L_coh, L_sep, L_ali, loss])

if __name__ == "__main__":
    import jax
    _d = setup_inputs()
    print(jax.jit(kernel)(*tuple(_d.values())))

</pallas_src>

<mosaic_0001>
#map = affine_map<(d0, d1) -> (0, 0)>
#map1 = affine_map<(d0, d1) -> (0)>
module attributes {stable_mosaic.version = 14 : i64} {
  func.func @gather_k(%arg0: i32, %arg1: i32, %arg2: memref<8192x128xf32, #tpu.memory_space<hbm>>, %arg3: memref<65536xi32, #tpu.memory_space<hbm>>, %arg4: memref<65536x128xf32, #tpu.memory_space<hbm>>, %arg5: memref<128xi32, #tpu.memory_space<vmem>>, %arg6: memref<128xi32, #tpu.memory_space<vmem>>, %arg7: memref<128x128xf32, #tpu.memory_space<vmem>>, %arg8: memref<128x128xf32, #tpu.memory_space<vmem>>, %arg9: memref<!tpu.dma_semaphore, #tpu.memory_space<semaphore_mem>>, %arg10: memref<!tpu.dma_semaphore, #tpu.memory_space<semaphore_mem>>) attributes {dimension_semantics = [#tpu.dimension_semantics<core_parallel>, #tpu.dimension_semantics<subcore_parallel>], iteration_bounds = array<i64: 2, 16>, scalar_prefetch = 0 : i64, scratch_operands = 6 : i64, tpu.core_type = #tpu.core_type<sc_vector_subcore>, window_params = [{transform_indices = #map}, {transform_indices = #map1}, {transform_indices = #map}]} {
    %mul3A = arith.constant 2 : i32
    %mul3A_0 = arith.muli %arg1, %mul3A : i32
    %add3A = arith.addi %mul3A_0, %arg0 : i32
    %mul3A_1 = arith.constant 2048 : i32
    %mul3A_2 = arith.muli %add3A, %mul3A_1 : i32
    "tpu.region"() ({
      %run_scoped3A = tpu.sem_alloc : memref<!tpu.dma_semaphore, #tpu.memory_space<semaphore_mem>>
      %dma_start3A_159 = tpu.memref_slice %arg3[%mul3A_2] : memref<65536xi32, #tpu.memory_space<hbm>> -> memref<128xi32, #tpu.memory_space<hbm>>
      %dma_start3A_160 = tpu.memref_slice %arg3[%mul3A_2] : memref<65536xi32, #tpu.memory_space<hbm>> -> memref<128xi32, #tpu.memory_space<hbm>>
      tpu.enqueue_dma source(%dma_start3A_160 : memref<128xi32, #tpu.memory_space<hbm>>) target(%arg5 : memref<128xi32, #tpu.memory_space<vmem>>) target_semaphore(%run_scoped3A : memref<!tpu.dma_semaphore, #tpu.memory_space<semaphore_mem>>)
      %dma_wait3A_161 = tpu.memref_slice %arg3[%mul3A_2] : memref<65536xi32, #tpu.memory_space<hbm>> -> memref<128xi32, #tpu.memory_space<hbm>>
      %dma_wait3A_162 = tpu.memref_slice %arg3[%mul3A_2] : memref<65536xi32, #tpu.memory_space<hbm>> -> memref<128xi32, #tpu.memory_space<hbm>>
      tpu.wait_dma2 semaphore(%run_scoped3A : memref<!tpu.dma_semaphore, #tpu.memory_space<semaphore_mem>>) src(%dma_wait3A_162 : memref<128xi32, #tpu.memory_space<hbm>>) dst(%arg5 : memref<128xi32, #tpu.memory_space<vmem>>)
      tpu.yield
    }) : () -> ()
    %dma_start3A = arith.constant 0 : i32
    %dma_start3A_3 = arith.constant 0 : i32
    %dma_start3A_4 = tpu.memref_slice %arg2[%dma_start3A, %dma_start3A_3] : memref<8192x128xf32, #tpu.memory_space<hbm>> -> memref<8192x128xf32, #tpu.memory_space<hbm>>
    tpu.enqueue_indirect_dma source(%dma_start3A_4 : memref<8192x128xf32, #tpu.memory_space<hbm>>) target(%arg7 : memref<128x128xf32, #tpu.memory_space<vmem>>) offsets(%arg5 : memref<128xi32, #tpu.memory_space<vmem>>) semaphore(%arg9 : memref<!tpu.dma_semaphore, #tpu.memory_space<semaphore_mem>>)
    %add3A_5 = arith.constant 128 : i32
    %add3A_6 = arith.addi %mul3A_2, %add3A_5 : i32
    "tpu.region"() ({
      %run_scoped3A = tpu.sem_alloc : memref<!tpu.dma_semaphore, #tpu.memory_space<semaphore_mem>>
      %dma_start3A_159 = tpu.memref_slice %arg3[%add3A_6] : memref<65536xi32, #tpu.memory_space<hbm>> -> memref<128xi32, #tpu.memory_space<hbm>>
      %dma_start3A_160 = tpu.memref_slice %arg3[%add3A_6] : memref<65536xi32, #tpu.memory_space<hbm>> -> memref<128xi32, #tpu.memory_space<hbm>>
      tpu.enqueue_dma source(%dma_start3A_160 : memref<128xi32, #tpu.memory_space<hbm>>) target(%arg6 : memref<128xi32, #tpu.memory_space<vmem>>) target_semaphore(%run_scoped3A : memref<!tpu.dma_semaphore, #tpu.memory_space<semaphore_mem>>)
      %dma_wait3A_161 = tpu.memref_slice %arg3[%add3A_6] : memref<65536xi32, #tpu.memory_space<hbm>> -> memref<128xi32, #tpu.memory_space<hbm>>
      %dma_wait3A_162 = tpu.memref_slice %arg3[%add3A_6] : memref<65536xi32, #tpu.memory_space<hbm>> -> memref<128xi32, #tpu.memory_space<hbm>>
      tpu.wait_dma2 semaphore(%run_scoped3A : memref<!tpu.dma_semaphore, #tpu.memory_space<semaphore_mem>>) src(%dma_wait3A_162 : memref<128xi32, #tpu.memory_space<hbm>>) dst(%arg6 : memref<128xi32, #tpu.memory_space<vmem>>)
      tpu.yield
    }) : () -> ()
    %dma_start3A_7 = arith.constant 0 : i32
    %dma_start3A_8 = arith.constant 0 : i32
    %dma_start3A_9 = tpu.memref_slice %arg2[%dma_start3A_7, %dma_start3A_8] : memref<8192x128xf32, #tpu.memory_space<hbm>> -> memref<8192x128xf32, #tpu.memory_space<hbm>>
    tpu.enqueue_indirect_dma source(%dma_start3A_9 : memref<8192x128xf32, #tpu.memory_space<hbm>>) target(%arg8 : memref<128x128xf32, #tpu.memory_space<vmem>>) offsets(%arg6 : memref<128xi32, #tpu.memory_space<vmem>>) semaphore(%arg10 : memref<!tpu.dma_semaphore, #tpu.memory_space<semaphore_mem>>)
    %dma_wait3A = arith.constant 0 : i32
    %dma_wait3A_10 = arith.constant 0 : i32
    %dma_wait3A_11 = tpu.memref_slice %arg2[%dma_wait3A, %dma_wait3A_10] : memref<8192x128xf32, #tpu.memory_space<hbm>> -> memref<8192x128xf32, #tpu.memory_space<hbm>>
    tpu.wait_indirect_dma semaphore(%arg9 : memref<!tpu.dma_semaphore, #tpu.memory_space<semaphore_mem>>) src(%dma_wait3A_11 : memref<8192x128xf32, #tpu.memory_space<hbm>>) dst(%arg7 : memref<128x128xf32, #tpu.memory_space<vmem>>)
    %add3A_12 = arith.constant 0 : i32
    %add3A_13 = arith.addi %mul3A_2, %add3A_12 : i32
    "tpu.region"() ({
      %run_scoped3A = tpu.sem_alloc : memref<!tpu.dma_semaphore, #tpu.memory_space<semaphore_mem>>
      %dma_start3A_159 = arith.constant 0 : i32
      %dma_start3A_160 = tpu.memref_slice %arg4[%add3A_13, %dma_start3A_159] : memref<65536x128xf32, #tpu.memory_space<hbm>> -> memref<128x128xf32, #tpu.memory_space<hbm>>
      %dma_start3A_161 = arith.constant 0 : i32
      %dma_start3A_162 = tpu.memref_slice %arg4[%add3A_13, %dma_start3A_161] : memref<65536x128xf32, #tpu.memory_space<hbm>> -> memref<128x128xf32, #tpu.memory_space<hbm>>
      tpu.enqueue_dma source(%arg7 : memref<128x128xf32, #tpu.memory_space<vmem>>) target(%dma_start3A_162 : memref<128x128xf32, #tpu.memory_space<hbm>>) target_semaphore(%run_scoped3A : memref<!tpu.dma_semaphore, #tpu.memory_space<semaphore_mem>>)
      %dma_wait3A_163 = arith.constant 0 : i32
      %dma_wait3A_164 = tpu.memref_slice %arg4[%add3A_13, %dma_wait3A_163] : memref<65536x128xf32, #tpu.memory_space<hbm>> -> memref<128x128xf32, #tpu.memory_space<hbm>>
      %dma_wait3A_165 = arith.constant 0 : i32
      %dma_wait3A_166 = tpu.memref_slice %arg4[%add3A_13, %dma_wait3A_165] : memref<65536x128xf32, #tpu.memory_space<hbm>> -> memref<128x128xf32, #tpu.memory_space<hbm>>
      tpu.wait_dma2 semaphore(%run_scoped3A : memref<!tpu.dma_semaphore, #tpu.memory_space<semaphore_mem>>) src(%arg7 : memref<128x128xf32, #tpu.memory_space<vmem>>) dst(%dma_wait3A_166 : memref<128x128xf32, #tpu.memory_space<hbm>>)
      tpu.yield
    }) : () -> ()
    %add3A_14 = arith.constant 256 : i32
    %add3A_15 = arith.addi %mul3A_2, %add3A_14 : i32
    "tpu.region"() ({
      %run_scoped3A = tpu.sem_alloc : memref<!tpu.dma_semaphore, #tpu.memory_space<semaphore_mem>>
      %dma_start3A_159 = tpu.memref_slice %arg3[%add3A_15] : memref<65536xi32, #tpu.memory_space<hbm>> -> memref<128xi32, #tpu.memory_space<hbm>>
      %dma_start3A_160 = tpu.memref_slice %arg3[%add3A_15] : memref<65536xi32, #tpu.memory_space<hbm>> -> memref<128xi32, #tpu.memory_space<hbm>>
      tpu.enqueue_dma source(%dma_start3A_160 : memref<128xi32, #tpu.memory_space<hbm>>) target(%arg5 : memref<128xi32, #tpu.memory_space<vmem>>) target_semaphore(%run_scoped3A : memref<!tpu.dma_semaphore, #tpu.memory_space<semaphore_mem>>)
      %dma_wait3A_161 = tpu.memref_slice %arg3[%add3A_15] : memref<65536xi32, #tpu.memory_space<hbm>> -> memref<128xi32, #tpu.memory_space<hbm>>
      %dma_wait3A_162 = tpu.memref_slice %arg3[%add3A_15] : memref<65536xi32, #tpu.memory_space<hbm>> -> memref<128xi32, #tpu.memory_space<hbm>>
      tpu.wait_dma2 semaphore(%run_scoped3A : memref<!tpu.dma_semaphore, #tpu.memory_space<semaphore_mem>>) src(%dma_wait3A_162 : memref<128xi32, #tpu.memory_space<hbm>>) dst(%arg5 : memref<128xi32, #tpu.memory_space<vmem>>)
      tpu.yield
    }) : () -> ()
    %dma_start3A_16 = arith.constant 0 : i32
    %dma_start3A_17 = arith.constant 0 : i32
    %dma_start3A_18 = tpu.memref_slice %arg2[%dma_start3A_16, %dma_start3A_17] : memref<8192x128xf32, #tpu.memory_space<hbm>> -> memref<8192x128xf32, #tpu.memory_space<hbm>>
    tpu.enqueue_indirect_dma source(%dma_start3A_18 : memref<8192x128xf32, #tpu.memory_space<hbm>>) target(%arg7 : memref<128x128xf32, #tpu.memory_space<vmem>>) offsets(%arg5 : memref<128xi32, #tpu.memory_space<vmem>>) semaphore(%arg9 : memref<!tpu.dma_semaphore, #tpu.memory_space<semaphore_mem>>)
    %dma_wait3A_19 = arith.constant 0 : i32
    %dma_wait3A_20 = arith.constant 0 : i32
    %dma_wait3A_21 = tpu.memref_slice %arg2[%dma_wait3A_19, %dma_wait3A_20] : memref<8192x128xf32, #tpu.memory_space<hbm>> -> memref<8192x128xf32, #tpu.memory_space<hbm>>
    tpu.wait_indirect_dma semaphore(%arg10 : memref<!tpu.dma_semaphore, #tpu.memory_space<semaphore_mem>>) src(%dma_wait3A_21 : memref<8192x128xf32, #tpu.memory_space<hbm>>) dst(%arg8 : memref<128x128xf32, #tpu.memory_space<vmem>>)
    %add3A_22 = arith.constant 128 : i32
    %add3A_23 = arith.addi %mul3A_2, %add3A_22 : i32
    "tpu.region"() ({
      %run_scoped3A = tpu.sem_alloc : memref<!tpu.dma_semaphore, #tpu.memory_space<semaphore_mem>>
      %dma_start3A_159 = arith.constant 0 : i32
      %dma_start3A_160 = tpu.memref_slice %arg4[%add3A_23, %dma_start3A_159] : memref<65536x128xf32, #tpu.memory_space<hbm>> -> memref<128x128xf32, #tpu.memory_space<hbm>>
      %dma_start3A_161 = arith.constant 0 : i32
      %dma_start3A_162 = tpu.memref_slice %arg4[%add3A_23, %dma_start3A_161] : memref<65536x128xf32, #tpu.memory_space<hbm>> -> memref<128x128xf32, #tpu.memory_space<hbm>>
      tpu.enqueue_dma source(%arg8 : memref<128x128xf32, #tpu.memory_space<vmem>>) target(%dma_start3A_162 : memref<128x128xf32, #tpu.memory_space<hbm>>) target_semaphore(%run_scoped3A : memref<!tpu.dma_semaphore, #tpu.memory_space<semaphore_mem>>)
      %dma_wait3A_163 = arith.constant 0 : i32
      %dma_wait3A_164 = tpu.memref_slice %arg4[%add3A_23, %dma_wait3A_163] : memref<65536x128xf32, #tpu.memory_space<hbm>> -> memref<128x128xf32, #tpu.memory_space<hbm>>
      %dma_wait3A_165 = arith.constant 0 : i32
      %dma_wait3A_166 = tpu.memref_slice %arg4[%add3A_23, %dma_wait3A_165] : memref<65536x128xf32, #tpu.memory_space<hbm>> -> memref<128x128xf32, #tpu.memory_space<hbm>>
      tpu.wait_dma2 semaphore(%run_scoped3A : memref<!tpu.dma_semaphore, #tpu.memory_space<semaphore_mem>>) src(%arg8 : memref<128x128xf32, #tpu.memory_space<vmem>>) dst(%dma_wait3A_166 : memref<128x128xf32, #tpu.memory_space<hbm>>)
      tpu.yield
    }) : () -> ()
    %add3A_24 = arith.constant 384 : i32
    %add3A_25 = arith.addi %mul3A_2, %add3A_24 : i32
    "tpu.region"() ({
      %run_scoped3A = tpu.sem_alloc : memref<!tpu.dma_semaphore, #tpu.memory_space<semaphore_mem>>
      %dma_start3A_159 = tpu.memref_slice %arg3[%add3A_25] : memref<65536xi32, #tpu.memory_space<hbm>> -> memref<128xi32, #tpu.memory_space<hbm>>
      %dma_start3A_160 = tpu.memref_slice %arg3[%add3A_25] : memref<65536xi32, #tpu.memory_space<hbm>> -> memref<128xi32, #tpu.memory_space<hbm>>
      tpu.enqueue_dma source(%dma_start3A_160 : memref<128xi32, #tpu.memory_space<hbm>>) target(%arg6 : memref<128xi32, #tpu.memory_space<vmem>>) target_semaphore(%run_scoped3A : memref<!tpu.dma_semaphore, #tpu.memory_space<semaphore_mem>>)
      %dma_wait3A_161 = tpu.memref_slice %arg3[%add3A_25] : memref<65536xi32, #tpu.memory_space<hbm>> -> memref<128xi32, #tpu.memory_space<hbm>>
      %dma_wait3A_162 = tpu.memref_slice %arg3[%add3A_25] : memref<65536xi32, #tpu.memory_space<hbm>> -> memref<128xi32, #tpu.memory_space<hbm>>
      tpu.wait_dma2 semaphore(%run_scoped3A : memref<!tpu.dma_semaphore, #tpu.memory_space<semaphore_mem>>) src(%dma_wait3A_162 : memref<128xi32, #tpu.memory_space<hbm>>) dst(%arg6 : memref<128xi32, #tpu.memory_space<vmem>>)
      tpu.yield
    }) : () -> ()
    %dma_start3A_26 = arith.constant 0 : i32
    %dma_start3A_27 = arith.constant 0 : i32
    %dma_start3A_28 = tpu.memref_slice %arg2[%dma_start3A_26, %dma_start3A_27] : memref<8192x128xf32, #tpu.memory_space<hbm>> -> memref<8192x128xf32, #tpu.memory_space<hbm>>
    tpu.enqueue_indirect_dma source(%dma_start3A_28 : memref<8192x128xf32, #tpu.memory_space<hbm>>) target(%arg8 : memref<128x128xf32, #tpu.memory_space<vmem>>) offsets(%arg6 : memref<128xi32, #tpu.memory_space<vmem>>) semaphore(%arg10 : memref<!tpu.dma_semaphore, #tpu.memory_space<semaphore_mem>>)
    %dma_wait3A_29 = arith.constant 0 : i32
    %dma_wait3A_30 = arith.constant 0 : i32
    %dma_wait3A_31 = tpu.memref_slice %arg2[%dma_wait3A_29, %dma_wait3A_30] : memref<8192x128xf32, #tpu.memory_space<hbm>> -> memref<8192x128xf32, #tpu.memory_space<hbm>>
    tpu.wait_indirect_dma semaphore(%arg9 : memref<!tpu.dma_semaphore, #tpu.memory_space<semaphore_mem>>) src(%dma_wait3A_31 : memref<8192x128xf32, #tpu.memory_space<hbm>>) dst(%arg7 : memref<128x128xf32, #tpu.memory_space<vmem>>)
    %add3A_32 = arith.constant 256 : i32
    %add3A_33 = arith.addi %mul3A_2, %add3A_32 : i32
    "tpu.region"() ({
      %run_scoped3A = tpu.sem_alloc : memref<!tpu.dma_semaphore, #tpu.memory_space<semaphore_mem>>
      %dma_start3A_159 = arith.constant 0 : i32
      %dma_start3A_160 = tpu.memref_slice %arg4[%add3A_33, %dma_start3A_159] : memref<65536x128xf32, #tpu.memory_space<hbm>> -> memref<128x128xf32, #tpu.memory_space<hbm>>
      %dma_start3A_161 = arith.constant 0 : i32
      %dma_start3A_162 = tpu.memref_slice %arg4[%add3A_33, %dma_start3A_161] : memref<65536x128xf32, #tpu.memory_space<hbm>> -> memref<128x128xf32, #tpu.memory_space<hbm>>
      tpu.enqueue_dma source(%arg7 : memref<128x128xf32, #tpu.memory_space<vmem>>) target(%dma_start3A_162 : memref<128x128xf32, #tpu.memory_space<hbm>>) target_semaphore(%run_scoped3A : memref<!tpu.dma_semaphore, #tpu.memory_space<semaphore_mem>>)
      %dma_wait3A_163 = arith.constant 0 : i32
      %dma_wait3A_164 = tpu.memref_slice %arg4[%add3A_33, %dma_wait3A_163] : memref<65536x128xf32, #tpu.memory_space<hbm>> -> memref<128x128xf32, #tpu.memory_space<hbm>>
      %dma_wait3A_165 = arith.constant 0 : i32
      %dma_wait3A_166 = tpu.memref_slice %arg4[%add3A_33, %dma_wait3A_165] : memref<65536x128xf32, #tpu.memory_space<hbm>> -> memref<128x128xf32, #tpu.memory_space<hbm>>
      tpu.wait_dma2 semaphore(%run_scoped3A : memref<!tpu.dma_semaphore, #tpu.memory_space<semaphore_mem>>) src(%arg7 : memref<128x128xf32, #tpu.memory_space<vmem>>) dst(%dma_wait3A_166 : memref<128x128xf32, #tpu.memory_space<hbm>>)
      tpu.yield
    }) : () -> ()
    %add3A_34 = arith.constant 512 : i32
    %add3A_35 = arith.addi %mul3A_2, %add3A_34 : i32
    "tpu.region"() ({
      %run_scoped3A = tpu.sem_alloc : memref<!tpu.dma_semaphore, #tpu.memory_space<semaphore_mem>>
      %dma_start3A_159 = tpu.memref_slice %arg3[%add3A_35] : memref<65536xi32, #tpu.memory_space<hbm>> -> memref<128xi32, #tpu.memory_space<hbm>>
      %dma_start3A_160 = tpu.memref_slice %arg3[%add3A_35] : memref<65536xi32, #tpu.memory_space<hbm>> -> memref<128xi32, #tpu.memory_space<hbm>>
      tpu.enqueue_dma source(%dma_start3A_160 : memref<128xi32, #tpu.memory_space<hbm>>) target(%arg5 : memref<128xi32, #tpu.memory_space<vmem>>) target_semaphore(%run_scoped3A : memref<!tpu.dma_semaphore, #tpu.memory_space<semaphore_mem>>)
      %dma_wait3A_161 = tpu.memref_slice %arg3[%add3A_35] : memref<65536xi32, #tpu.memory_space<hbm>> -> memref<128xi32, #tpu.memory_space<hbm>>
      %dma_wait3A_162 = tpu.memref_slice %arg3[%add3A_35] : memref<65536xi32, #tpu.memory_space<hbm>> -> memref<128xi32, #tpu.memory_space<hbm>>
      tpu.wait_dma2 semaphore(%run_scoped3A : memref<!tpu.dma_semaphore, #tpu.memory_space<semaphore_mem>>) src(%dma_wait3A_162 : memref<128xi32, #tpu.memory_space<hbm>>) dst(%arg5 : memref<128xi32, #tpu.memory_space<vmem>>)
      tpu.yield
    }) : () -> ()
    %dma_start3A_36 = arith.constant 0 : i32
    %dma_start3A_37 = arith.constant 0 : i32
    %dma_start3A_38 = tpu.memref_slice %arg2[%dma_start3A_36, %dma_start3A_37] : memref<8192x128xf32, #tpu.memory_space<hbm>> -> memref<8192x128xf32, #tpu.memory_space<hbm>>
    tpu.enqueue_indirect_dma source(%dma_start3A_38 : memref<8192x128xf32, #tpu.memory_space<hbm>>) target(%arg7 : memref<128x128xf32, #tpu.memory_space<vmem>>) offsets(%arg5 : memref<128xi32, #tpu.memory_space<vmem>>) semaphore(%arg9 : memref<!tpu.dma_semaphore, #tpu.memory_space<semaphore_mem>>)
    %dma_wait3A_39 = arith.constant 0 : i32
    %dma_wait3A_40 = arith.constant 0 : i32
    %dma_wait3A_41 = tpu.memref_slice %arg2[%dma_wait3A_39, %dma_wait3A_40] : memref<8192x128xf32, #tpu.memory_space<hbm>> -> memref<8192x128xf32, #tpu.memory_space<hbm>>
    tpu.wait_indirect_dma semaphore(%arg10 : memref<!tpu.dma_semaphore, #tpu.memory_space<semaphore_mem>>) src(%dma_wait3A_41 : memref<8192x128xf32, #tpu.memory_space<hbm>>) dst(%arg8 : memref<128x128xf32, #tpu.memory_space<vmem>>)
    %add3A_42 = arith.constant 384 : i32
    %add3A_43 = arith.addi %mul3A_2, %add3A_42 : i32
    "tpu.region"() ({
      %run_scoped3A = tpu.sem_alloc : memref<!tpu.dma_semaphore, #tpu.memory_space<semaphore_mem>>
      %dma_start3A_159 = arith.constant 0 : i32
      %dma_start3A_160 = tpu.memref_slice %arg4[%add3A_43, %dma_start3A_159] : memref<65536x128xf32, #tpu.memory_space<hbm>> -> memref<128x128xf32, #tpu.memory_space<hbm>>
      %dma_start3A_161 = arith.constant 0 : i32
      %dma_start3A_162 = tpu.memref_slice %arg4[%add3A_43, %dma_start3A_161] : memref<65536x128xf32, #tpu.memory_space<hbm>> -> memref<128x128xf32, #tpu.memory_space<hbm>>
      tpu.enqueue_dma source(%arg8 : memref<128x128xf32, #tpu.memory_space<vmem>>) target(%dma_start3A_162 : memref<128x128xf32, #tpu.memory_space<hbm>>) target_semaphore(%run_scoped3A : memref<!tpu.dma_semaphore, #tpu.memory_space<semaphore_mem>>)
      %dma_wait3A_163 = arith.constant 0 : i32
      %dma_wait3A_164 = tpu.memref_slice %arg4[%add3A_43, %dma_wait3A_163] : memref<65536x128xf32, #tpu.memory_space<hbm>> -> memref<128x128xf32, #tpu.memory_space<hbm>>
      %dma_wait3A_165 = arith.constant 0 : i32
      %dma_wait3A_166 = tpu.memref_slice %arg4[%add3A_43, %dma_wait3A_165] : memref<65536x128xf32, #tpu.memory_space<hbm>> -> memref<128x128xf32, #tpu.memory_space<hbm>>
      tpu.wait_dma2 semaphore(%run_scoped3A : memref<!tpu.dma_semaphore, #tpu.memory_space<semaphore_mem>>) src(%arg8 : memref<128x128xf32, #tpu.memory_space<vmem>>) dst(%dma_wait3A_166 : memref<128x128xf32, #tpu.memory_space<hbm>>)
      tpu.yield
    }) : () -> ()
    %add3A_44 = arith.constant 640 : i32
    %add3A_45 = arith.addi %mul3A_2, %add3A_44 : i32
    "tpu.region"() ({
      %run_scoped3A = tpu.sem_alloc : memref<!tpu.dma_semaphore, #tpu.memory_space<semaphore_mem>>
      %dma_start3A_159 = tpu.memref_slice %arg3[%add3A_45] : memref<65536xi32, #tpu.memory_space<hbm>> -> memref<128xi32, #tpu.memory_space<hbm>>
      %dma_start3A_160 = tpu.memref_slice %arg3[%add3A_45] : memref<65536xi32, #tpu.memory_space<hbm>> -> memref<128xi32, #tpu.memory_space<hbm>>
      tpu.enqueue_dma source(%dma_start3A_160 : memref<128xi32, #tpu.memory_space<hbm>>) target(%arg6 : memref<128xi32, #tpu.memory_space<vmem>>) target_semaphore(%run_scoped3A : memref<!tpu.dma_semaphore, #tpu.memory_space<semaphore_mem>>)
      %dma_wait3A_161 = tpu.memref_slice %arg3[%add3A_45] : memref<65536xi32, #tpu.memory_space<hbm>> -> memref<128xi32, #tpu.memory_space<hbm>>
      %dma_wait3A_162 = tpu.memref_slice %arg3[%add3A_45] : memref<65536xi32, #tpu.memory_space<hbm>> -> memref<128xi32, #tpu.memory_space<hbm>>
      tpu.wait_dma2 semaphore(%run_scoped3A : memref<!tpu.dma_semaphore, #tpu.memory_space<semaphore_mem>>) src(%dma_wait3A_162 : memref<128xi32, #tpu.memory_space<hbm>>) dst(%arg6 : memref<128xi32, #tpu.memory_space<vmem>>)
      tpu.yield
    }) : () -> ()
    %dma_start3A_46 = arith.constant 0 : i32
    %dma_start3A_47 = arith.constant 0 : i32
    %dma_start3A_48 = tpu.memref_slice %arg2[%dma_start3A_46, %dma_start3A_47] : memref<8192x128xf32, #tpu.memory_space<hbm>> -> memref<8192x128xf32, #tpu.memory_space<hbm>>
    tpu.enqueue_indirect_dma source(%dma_start3A_48 : memref<8192x128xf32, #tpu.memory_space<hbm>>) target(%arg8 : memref<128x128xf32, #tpu.memory_space<vmem>>) offsets(%arg6 : memref<128xi32, #tpu.memory_space<vmem>>) semaphore(%arg10 : memref<!tpu.dma_semaphore, #tpu.memory_space<semaphore_mem>>)
    %dma_wait3A_49 = arith.constant 0 : i32
    %dma_wait3A_50 = arith.constant 0 : i32
    %dma_wait3A_51 = tpu.memref_slice %arg2[%dma_wait3A_49, %dma_wait3A_50] : memref<8192x128xf32, #tpu.memory_space<hbm>> -> memref<8192x128xf32, #tpu.memory_space<hbm>>
    tpu.wait_indirect_dma semaphore(%arg9 : memref<!tpu.dma_semaphore, #tpu.memory_space<semaphore_mem>>) src(%dma_wait3A_51 : memref<8192x128xf32, #tpu.memory_space<hbm>>) dst(%arg7 : memref<128x128xf32, #tpu.memory_space<vmem>>)
    %add3A_52 = arith.constant 512 : i32
    %add3A_53 = arith.addi %mul3A_2, %add3A_52 : i32
    "tpu.region"() ({
      %run_scoped3A = tpu.sem_alloc : memref<!tpu.dma_semaphore, #tpu.memory_space<semaphore_mem>>
      %dma_start3A_159 = arith.constant 0 : i32
      %dma_start3A_160 = tpu.memref_slice %arg4[%add3A_53, %dma_start3A_159] : memref<65536x128xf32, #tpu.memory_space<hbm>> -> memref<128x128xf32, #tpu.memory_space<hbm>>
      %dma_start3A_161 = arith.constant 0 : i32
      %dma_start3A_162 = tpu.memref_slice %arg4[%add3A_53, %dma_start3A_161] : memref<65536x128xf32, #tpu.memory_space<hbm>> -> memref<128x128xf32, #tpu.memory_space<hbm>>
      tpu.enqueue_dma source(%arg7 : memref<128x128xf32, #tpu.memory_space<vmem>>) target(%dma_start3A_162 : memref<128x128xf32, #tpu.memory_space<hbm>>) target_semaphore(%run_scoped3A : memref<!tpu.dma_semaphore, #tpu.memory_space<semaphore_mem>>)
      %dma_wait3A_163 = arith.constant 0 : i32
      %dma_wait3A_164 = tpu.memref_slice %arg4[%add3A_53, %dma_wait3A_163] : memref<65536x128xf32, #tpu.memory_space<hbm>> -> memref<128x128xf32, #tpu.memory_space<hbm>>
      %dma_wait3A_165 = arith.constant 0 : i32
      %dma_wait3A_166 = tpu.memref_slice %arg4[%add3A_53, %dma_wait3A_165] : memref<65536x128xf32, #tpu.memory_space<hbm>> -> memref<128x128xf32, #tpu.memory_space<hbm>>
      tpu.wait_dma2 semaphore(%run_scoped3A : memref<!tpu.dma_semaphore, #tpu.memory_space<semaphore_mem>>) src(%arg7 : memref<128x128xf32, #tpu.memory_space<vmem>>) dst(%dma_wait3A_166 : memref<128x128xf32, #tpu.memory_space<hbm>>)
      tpu.yield
    }) : () -> ()
    %add3A_54 = arith.constant 768 : i32
    %add3A_55 = arith.addi %mul3A_2, %add3A_54 : i32
    "tpu.region"() ({
      %run_scoped3A = tpu.sem_alloc : memref<!tpu.dma_semaphore, #tpu.memory_space<semaphore_mem>>
      %dma_start3A_159 = tpu.memref_slice %arg3[%add3A_55] : memref<65536xi32, #tpu.memory_space<hbm>> -> memref<128xi32, #tpu.memory_space<hbm>>
      %dma_start3A_160 = tpu.memref_slice %arg3[%add3A_55] : memref<65536xi32, #tpu.memory_space<hbm>> -> memref<128xi32, #tpu.memory_space<hbm>>
      tpu.enqueue_dma source(%dma_start3A_160 : memref<128xi32, #tpu.memory_space<hbm>>) target(%arg5 : memref<128xi32, #tpu.memory_space<vmem>>) target_semaphore(%run_scoped3A : memref<!tpu.dma_semaphore, #tpu.memory_space<semaphore_mem>>)
      %dma_wait3A_161 = tpu.memref_slice %arg3[%add3A_55] : memref<65536xi32, #tpu.memory_space<hbm>> -> memref<128xi32, #tpu.memory_space<hbm>>
      %dma_wait3A_162 = tpu.memref_slice %arg3[%add3A_55] : memref<65536xi32, #tpu.memory_space<hbm>> -> memref<128xi32, #tpu.memory_space<hbm>>
      tpu.wait_dma2 semaphore(%run_scoped3A : memref<!tpu.dma_semaphore, #tpu.memory_space<semaphore_mem>>) src(%dma_wait3A_162 : memref<128xi32, #tpu.memory_space<hbm>>) dst(%arg5 : memref<128xi32, #tpu.memory_space<vmem>>)
      tpu.yield
    }) : () -> ()
    %dma_start3A_56 = arith.constant 0 : i32
    %dma_start3A_57 = arith.constant 0 : i32
    %dma_start3A_58 = tpu.memref_slice %arg2[%dma_start3A_56, %dma_start3A_57] : memref<8192x128xf32, #tpu.memory_space<hbm>> -> memref<8192x128xf32, #tpu.memory_space<hbm>>
    tpu.enqueue_indirect_dma source(%dma_start3A_58 : memref<8192x128xf32, #tpu.memory_space<hbm>>) target(%arg7 : memref<128x128xf32, #tpu.memory_space<vmem>>) offsets(%arg5 : memref<128xi32, #tpu.memory_space<vmem>>) semaphore(%arg9 : memref<!tpu.dma_semaphore, #tpu.memory_space<semaphore_mem>>)
    %dma_wait3A_59 = arith.constant 0 : i32
    %dma_wait3A_60 = arith.constant 0 : i32
    %dma_wait3A_61 = tpu.memref_slice %arg2[%dma_wait3A_59, %dma_wait3A_60] : memref<8192x128xf32, #tpu.memory_space<hbm>> -> memref<8192x128xf32, #tpu.memory_space<hbm>>
    tpu.wait_indirect_dma semaphore(%arg10 : memref<!tpu.dma_semaphore, #tpu.memory_space<semaphore_mem>>) src(%dma_wait3A_61 : memref<8192x128xf32, #tpu.memory_space<hbm>>) dst(%arg8 : memref<128x128xf32, #tpu.memory_space<vmem>>)
    %add3A_62 = arith.constant 640 : i32
    %add3A_63 = arith.addi %mul3A_2, %add3A_62 : i32
    "tpu.region"() ({
      %run_scoped3A = tpu.sem_alloc : memref<!tpu.dma_semaphore, #tpu.memory_space<semaphore_mem>>
      %dma_start3A_159 = arith.constant 0 : i32
      %dma_start3A_160 = tpu.memref_slice %arg4[%add3A_63, %dma_start3A_159] : memref<65536x128xf32, #tpu.memory_space<hbm>> -> memref<128x128xf32, #tpu.memory_space<hbm>>
      %dma_start3A_161 = arith.constant 0 : i32
      %dma_start3A_162 = tpu.memref_slice %arg4[%add3A_63, %dma_start3A_161] : memref<65536x128xf32, #tpu.memory_space<hbm>> -> memref<128x128xf32, #tpu.memory_space<hbm>>
      tpu.enqueue_dma source(%arg8 : memref<128x128xf32, #tpu.memory_space<vmem>>) target(%dma_start3A_162 : memref<128x128xf32, #tpu.memory_space<hbm>>) target_semaphore(%run_scoped3A : memref<!tpu.dma_semaphore, #tpu.memory_space<semaphore_mem>>)
      %dma_wait3A_163 = arith.constant 0 : i32
      %dma_wait3A_164 = tpu.memref_slice %arg4[%add3A_63, %dma_wait3A_163] : memref<65536x128xf32, #tpu.memory_space<hbm>> -> memref<128x128xf32, #tpu.memory_space<hbm>>
      %dma_wait3A_165 = arith.constant 0 : i32
      %dma_wait3A_166 = tpu.memref_slice %arg4[%add3A_63, %dma_wait3A_165] : memref<65536x128xf32, #tpu.memory_space<hbm>> -> memref<128x128xf32, #tpu.memory_space<hbm>>
      tpu.wait_dma2 semaphore(%run_scoped3A : memref<!tpu.dma_semaphore, #tpu.memory_space<semaphore_mem>>) src(%arg8 : memref<128x128xf32, #tpu.memory_space<vmem>>) dst(%dma_wait3A_166 : memref<128x128xf32, #tpu.memory_space<hbm>>)
      tpu.yield
    }) : () -> ()
    %add3A_64 = arith.constant 896 : i32
    %add3A_65 = arith.addi %mul3A_2, %add3A_64 : i32
    "tpu.region"() ({
      %run_scoped3A = tpu.sem_alloc : memref<!tpu.dma_semaphore, #tpu.memory_space<semaphore_mem>>
      %dma_start3A_159 = tpu.memref_slice %arg3[%add3A_65] : memref<65536xi32, #tpu.memory_space<hbm>> -> memref<128xi32, #tpu.memory_space<hbm>>
      %dma_start3A_160 = tpu.memref_slice %arg3[%add3A_65] : memref<65536xi32, #tpu.memory_space<hbm>> -> memref<128xi32, #tpu.memory_space<hbm>>
      tpu.enqueue_dma source(%dma_start3A_160 : memref<128xi32, #tpu.memory_space<hbm>>) target(%arg6 : memref<128xi32, #tpu.memory_space<vmem>>) target_semaphore(%run_scoped3A : memref<!tpu.dma_semaphore, #tpu.memory_space<semaphore_mem>>)
      %dma_wait3A_161 = tpu.memref_slice %arg3[%add3A_65] : memref<65536xi32, #tpu.memory_space<hbm>> -> memref<128xi32, #tpu.memory_space<hbm>>
      %dma_wait3A_162 = tpu.memref_slice %arg3[%add3A_65] : memref<65536xi32, #tpu.memory_space<hbm>> -> memref<128xi32, #tpu.memory_space<hbm>>
      tpu.wait_dma2 semaphore(%run_scoped3A : memref<!tpu.dma_semaphore, #tpu.memory_space<semaphore_mem>>) src(%dma_wait3A_162 : memref<128xi32, #tpu.memory_space<hbm>>) dst(%arg6 : memref<128xi32, #tpu.memory_space<vmem>>)
      tpu.yield
    }) : () -> ()
    %dma_start3A_66 = arith.constant 0 : i32
    %dma_start3A_67 = arith.constant 0 : i32
    %dma_start3A_68 = tpu.memref_slice %arg2[%dma_start3A_66, %dma_start3A_67] : memref<8192x128xf32, #tpu.memory_space<hbm>> -> memref<8192x128xf32, #tpu.memory_space<hbm>>
    tpu.enqueue_indirect_dma source(%dma_start3A_68 : memref<8192x128xf32, #tpu.memory_space<hbm>>) target(%arg8 : memref<128x128xf32, #tpu.memory_space<vmem>>) offsets(%arg6 : memref<128xi32, #tpu.memory_space<vmem>>) semaphore(%arg10 : memref<!tpu.dma_semaphore, #tpu.memory_space<semaphore_mem>>)
    %dma_wait3A_69 = arith.constant 0 : i32
    %dma_wait3A_70 = arith.constant 0 : i32
    %dma_wait3A_71 = tpu.memref_slice %arg2[%dma_wait3A_69, %dma_wait3A_70] : memref<8192x128xf32, #tpu.memory_space<hbm>> -> memref<8192x128xf32, #tpu.memory_space<hbm>>
    tpu.wait_indirect_dma semaphore(%arg9 : memref<!tpu.dma_semaphore, #tpu.memory_space<semaphore_mem>>) src(%dma_wait3A_71 : memref<8192x128xf32, #tpu.memory_space<hbm>>) dst(%arg7 : memref<128x128xf32, #tpu.memory_space<vmem>>)
    %add3A_72 = arith.constant 768 : i32
    %add3A_73 = arith.addi %mul3A_2, %add3A_72 : i32
    "tpu.region"() ({
      %run_scoped3A = tpu.sem_alloc : memref<!tpu.dma_semaphore, #tpu.memory_space<semaphore_mem>>
      %dma_start3A_159 = arith.constant 0 : i32
      %dma_start3A_160 = tpu.memref_slice %arg4[%add3A_73, %dma_start3A_159] : memref<65536x128xf32, #tpu.memory_space<hbm>> -> memref<128x128xf32, #tpu.memory_space<hbm>>
      %dma_start3A_161 = arith.constant 0 : i32
      %dma_start3A_162 = tpu.memref_slice %arg4[%add3A_73, %dma_start3A_161] : memref<65536x128xf32, #tpu.memory_space<hbm>> -> memref<128x128xf32, #tpu.memory_space<hbm>>
      tpu.enqueue_dma source(%arg7 : memref<128x128xf32, #tpu.memory_space<vmem>>) target(%dma_start3A_162 : memref<128x128xf32, #tpu.memory_space<hbm>>) target_semaphore(%run_scoped3A : memref<!tpu.dma_semaphore, #tpu.memory_space<semaphore_mem>>)
      %dma_wait3A_163 = arith.constant 0 : i32
      %dma_wait3A_164 = tpu.memref_slice %arg4[%add3A_73, %dma_wait3A_163] : memref<65536x128xf32, #tpu.memory_space<hbm>> -> memref<128x128xf32, #tpu.memory_space<hbm>>
      %dma_wait3A_165 = arith.constant 0 : i32
      %dma_wait3A_166 = tpu.memref_slice %arg4[%add3A_73, %dma_wait3A_165] : memref<65536x128xf32, #tpu.memory_space<hbm>> -> memref<128x128xf32, #tpu.memory_space<hbm>>
      tpu.wait_dma2 semaphore(%run_scoped3A : memref<!tpu.dma_semaphore, #tpu.memory_space<semaphore_mem>>) src(%arg7 : memref<128x128xf32, #tpu.memory_space<vmem>>) dst(%dma_wait3A_166 : memref<128x128xf32, #tpu.memory_space<hbm>>)
      tpu.yield
    }) : () -> ()
    %add3A_74 = arith.constant 1024 : i32
    %add3A_75 = arith.addi %mul3A_2, %add3A_74 : i32
    "tpu.region"() ({
      %run_scoped3A = tpu.sem_alloc : memref<!tpu.dma_semaphore, #tpu.memory_space<semaphore_mem>>
      %dma_start3A_159 = tpu.memref_slice %arg3[%add3A_75] : memref<65536xi32, #tpu.memory_space<hbm>> -> memref<128xi32, #tpu.memory_space<hbm>>
      %dma_start3A_160 = tpu.memref_slice %arg3[%add3A_75] : memref<65536xi32, #tpu.memory_space<hbm>> -> memref<128xi32, #tpu.memory_space<hbm>>
      tpu.enqueue_dma source(%dma_start3A_160 : memref<128xi32, #tpu.memory_space<hbm>>) target(%arg5 : memref<128xi32, #tpu.memory_space<vmem>>) target_semaphore(%run_scoped3A : memref<!tpu.dma_semaphore, #tpu.memory_space<semaphore_mem>>)
      %dma_wait3A_161 = tpu.memref_slice %arg3[%add3A_75] : memref<65536xi32, #tpu.memory_space<hbm>> -> memref<128xi32, #tpu.memory_space<hbm>>
      %dma_wait3A_162 = tpu.memref_slice %arg3[%add3A_75] : memref<65536xi32, #tpu.memory_space<hbm>> -> memref<128xi32, #tpu.memory_space<hbm>>
      tpu.wait_dma2 semaphore(%run_scoped3A : memref<!tpu.dma_semaphore, #tpu.memory_space<semaphore_mem>>) src(%dma_wait3A_162 : memref<128xi32, #tpu.memory_space<hbm>>) dst(%arg5 : memref<128xi32, #tpu.memory_space<vmem>>)
      tpu.yield
    }) : () -> ()
    %dma_start3A_76 = arith.constant 0 : i32
    %dma_start3A_77 = arith.constant 0 : i32
    %dma_start3A_78 = tpu.memref_slice %arg2[%dma_start3A_76, %dma_start3A_77] : memref<8192x128xf32, #tpu.memory_space<hbm>> -> memref<8192x128xf32, #tpu.memory_space<hbm>>
    tpu.enqueue_indirect_dma source(%dma_start3A_78 : memref<8192x128xf32, #tpu.memory_space<hbm>>) target(%arg7 : memref<128x128xf32, #tpu.memory_space<vmem>>) offsets(%arg5 : memref<128xi32, #tpu.memory_space<vmem>>) semaphore(%arg9 : memref<!tpu.dma_semaphore, #tpu.memory_space<semaphore_mem>>)
    %dma_wait3A_79 = arith.constant 0 : i32
    %dma_wait3A_80 = arith.constant 0 : i32
    %dma_wait3A_81 = tpu.memref_slice %arg2[%dma_wait3A_79, %dma_wait3A_80] : memref<8192x128xf32, #tpu.memory_space<hbm>> -> memref<8192x128xf32, #tpu.memory_space<hbm>>
    tpu.wait_indirect_dma semaphore(%arg10 : memref<!tpu.dma_semaphore, #tpu.memory_space<semaphore_mem>>) src(%dma_wait3A_81 : memref<8192x128xf32, #tpu.memory_space<hbm>>) dst(%arg8 : memref<128x128xf32, #tpu.memory_space<vmem>>)
    %add3A_82 = arith.constant 896 : i32
    %add3A_83 = arith.addi %mul3A_2, %add3A_82 : i32
    "tpu.region"() ({
      %run_scoped3A = tpu.sem_alloc : memref<!tpu.dma_semaphore, #tpu.memory_space<semaphore_mem>>
      %dma_start3A_159 = arith.constant 0 : i32
      %dma_start3A_160 = tpu.memref_slice %arg4[%add3A_83, %dma_start3A_159] : memref<65536x128xf32, #tpu.memory_space<hbm>> -> memref<128x128xf32, #tpu.memory_space<hbm>>
      %dma_start3A_161 = arith.constant 0 : i32
      %dma_start3A_162 = tpu.memref_slice %arg4[%add3A_83, %dma_start3A_161] : memref<65536x128xf32, #tpu.memory_space<hbm>> -> memref<128x128xf32, #tpu.memory_space<hbm>>
      tpu.enqueue_dma source(%arg8 : memref<128x128xf32, #tpu.memory_space<vmem>>) target(%dma_start3A_162 : memref<128x128xf32, #tpu.memory_space<hbm>>) target_semaphore(%run_scoped3A : memref<!tpu.dma_semaphore, #tpu.memory_space<semaphore_mem>>)
      %dma_wait3A_163 = arith.constant 0 : i32
      %dma_wait3A_164 = tpu.memref_slice %arg4[%add3A_83, %dma_wait3A_163] : memref<65536x128xf32, #tpu.memory_space<hbm>> -> memref<128x128xf32, #tpu.memory_space<hbm>>
      %dma_wait3A_165 = arith.constant 0 : i32
      %dma_wait3A_166 = tpu.memref_slice %arg4[%add3A_83, %dma_wait3A_165] : memref<65536x128xf32, #tpu.memory_space<hbm>> -> memref<128x128xf32, #tpu.memory_space<hbm>>
      tpu.wait_dma2 semaphore(%run_scoped3A : memref<!tpu.dma_semaphore, #tpu.memory_space<semaphore_mem>>) src(%arg8 : memref<128x128xf32, #tpu.memory_space<vmem>>) dst(%dma_wait3A_166 : memref<128x128xf32, #tpu.memory_space<hbm>>)
      tpu.yield
    }) : () -> ()
    %add3A_84 = arith.constant 1152 : i32
    %add3A_85 = arith.addi %mul3A_2, %add3A_84 : i32
    "tpu.region"() ({
      %run_scoped3A = tpu.sem_alloc : memref<!tpu.dma_semaphore, #tpu.memory_space<semaphore_mem>>
      %dma_start3A_159 = tpu.memref_slice %arg3[%add3A_85] : memref<65536xi32, #tpu.memory_space<hbm>> -> memref<128xi32, #tpu.memory_space<hbm>>
      %dma_start3A_160 = tpu.memref_slice %arg3[%add3A_85] : memref<65536xi32, #tpu.memory_space<hbm>> -> memref<128xi32, #tpu.memory_space<hbm>>
      tpu.enqueue_dma source(%dma_start3A_160 : memref<128xi32, #tpu.memory_space<hbm>>) target(%arg6 : memref<128xi32, #tpu.memory_space<vmem>>) target_semaphore(%run_scoped3A : memref<!tpu.dma_semaphore, #tpu.memory_space<semaphore_mem>>)
      %dma_wait3A_161 = tpu.memref_slice %arg3[%add3A_85] : memref<65536xi32, #tpu.memory_space<hbm>> -> memref<128xi32, #tpu.memory_space<hbm>>
      %dma_wait3A_162 = tpu.memref_slice %arg3[%add3A_85] : memref<65536xi32, #tpu.memory_space<hbm>> -> memref<128xi32, #tpu.memory_space<hbm>>
      tpu.wait_dma2 semaphore(%run_scoped3A : memref<!tpu.dma_semaphore, #tpu.memory_space<semaphore_mem>>) src(%dma_wait3A_162 : memref<128xi32, #tpu.memory_space<hbm>>) dst(%arg6 : memref<128xi32, #tpu.memory_space<vmem>>)
      tpu.yield
    }) : () -> ()
    %dma_start3A_86 = arith.constant 0 : i32
    %dma_start3A_87 = arith.constant 0 : i32
    %dma_start3A_88 = tpu.memref_slice %arg2[%dma_start3A_86, %dma_start3A_87] : memref<8192x128xf32, #tpu.memory_space<hbm>> -> memref<8192x128xf32, #tpu.memory_space<hbm>>
    tpu.enqueue_indirect_dma source(%dma_start3A_88 : memref<8192x128xf32, #tpu.memory_space<hbm>>) target(%arg8 : memref<128x128xf32, #tpu.memory_space<vmem>>) offsets(%arg6 : memref<128xi32, #tpu.memory_space<vmem>>) semaphore(%arg10 : memref<!tpu.dma_semaphore, #tpu.memory_space<semaphore_mem>>)
    %dma_wait3A_89 = arith.constant 0 : i32
    %dma_wait3A_90 = arith.constant 0 : i32
    %dma_wait3A_91 = tpu.memref_slice %arg2[%dma_wait3A_89, %dma_wait3A_90] : memref<8192x128xf32, #tpu.memory_space<hbm>> -> memref<8192x128xf32, #tpu.memory_space<hbm>>
    tpu.wait_indirect_dma semaphore(%arg9 : memref<!tpu.dma_semaphore, #tpu.memory_space<semaphore_mem>>) src(%dma_wait3A_91 : memref<8192x128xf32, #tpu.memory_space<hbm>>) dst(%arg7 : memref<128x128xf32, #tpu.memory_space<vmem>>)
    %add3A_92 = arith.constant 1024 : i32
    %add3A_93 = arith.addi %mul3A_2, %add3A_92 : i32
    "tpu.region"() ({
      %run_scoped3A = tpu.sem_alloc : memref<!tpu.dma_semaphore, #tpu.memory_space<semaphore_mem>>
      %dma_start3A_159 = arith.constant 0 : i32
      %dma_start3A_160 = tpu.memref_slice %arg4[%add3A_93, %dma_start3A_159] : memref<65536x128xf32, #tpu.memory_space<hbm>> -> memref<128x128xf32, #tpu.memory_space<hbm>>
      %dma_start3A_161 = arith.constant 0 : i32
      %dma_start3A_162 = tpu.memref_slice %arg4[%add3A_93, %dma_start3A_161] : memref<65536x128xf32, #tpu.memory_space<hbm>> -> memref<128x128xf32, #tpu.memory_space<hbm>>
      tpu.enqueue_dma source(%arg7 : memref<128x128xf32, #tpu.memory_space<vmem>>) target(%dma_start3A_162 : memref<128x128xf32, #tpu.memory_space<hbm>>) target_semaphore(%run_scoped3A : memref<!tpu.dma_semaphore, #tpu.memory_space<semaphore_mem>>)
      %dma_wait3A_163 = arith.constant 0 : i32
      %dma_wait3A_164 = tpu.memref_slice %arg4[%add3A_93, %dma_wait3A_163] : memref<65536x128xf32, #tpu.memory_space<hbm>> -> memref<128x128xf32, #tpu.memory_space<hbm>>
      %dma_wait3A_165 = arith.constant 0 : i32
      %dma_wait3A_166 = tpu.memref_slice %arg4[%add3A_93, %dma_wait3A_165] : memref<65536x128xf32, #tpu.memory_space<hbm>> -> memref<128x128xf32, #tpu.memory_space<hbm>>
      tpu.wait_dma2 semaphore(%run_scoped3A : memref<!tpu.dma_semaphore, #tpu.memory_space<semaphore_mem>>) src(%arg7 : memref<128x128xf32, #tpu.memory_space<vmem>>) dst(%dma_wait3A_166 : memref<128x128xf32, #tpu.memory_space<hbm>>)
      tpu.yield
    }) : () -> ()
    %add3A_94 = arith.constant 1280 : i32
    %add3A_95 = arith.addi %mul3A_2, %add3A_94 : i32
    "tpu.region"() ({
      %run_scoped3A = tpu.sem_alloc : memref<!tpu.dma_semaphore, #tpu.memory_space<semaphore_mem>>
      %dma_start3A_159 = tpu.memref_slice %arg3[%add3A_95] : memref<65536xi32, #tpu.memory_space<hbm>> -> memref<128xi32, #tpu.memory_space<hbm>>
      %dma_start3A_160 = tpu.memref_slice %arg3[%add3A_95] : memref<65536xi32, #tpu.memory_space<hbm>> -> memref<128xi32, #tpu.memory_space<hbm>>
      tpu.enqueue_dma source(%dma_start3A_160 : memref<128xi32, #tpu.memory_space<hbm>>) target(%arg5 : memref<128xi32, #tpu.memory_space<vmem>>) target_semaphore(%run_scoped3A : memref<!tpu.dma_semaphore, #tpu.memory_space<semaphore_mem>>)
      %dma_wait3A_161 = tpu.memref_slice %arg3[%add3A_95] : memref<65536xi32, #tpu.memory_space<hbm>> -> memref<128xi32, #tpu.memory_space<hbm>>
      %dma_wait3A_162 = tpu.memref_slice %arg3[%add3A_95] : memref<65536xi32, #tpu.memory_space<hbm>> -> memref<128xi32, #tpu.memory_space<hbm>>
      tpu.wait_dma2 semaphore(%run_scoped3A : memref<!tpu.dma_semaphore, #tpu.memory_space<semaphore_mem>>) src(%dma_wait3A_162 : memref<128xi32, #tpu.memory_space<hbm>>) dst(%arg5 : memref<128xi32, #tpu.memory_space<vmem>>)
      tpu.yield
    }) : () -> ()
    %dma_start3A_96 = arith.constant 0 : i32
    %dma_start3A_97 = arith.constant 0 : i32
    %dma_start3A_98 = tpu.memref_slice %arg2[%dma_start3A_96, %dma_start3A_97] : memref<8192x128xf32, #tpu.memory_space<hbm>> -> memref<8192x128xf32, #tpu.memory_space<hbm>>
    tpu.enqueue_indirect_dma source(%dma_start3A_98 : memref<8192x128xf32, #tpu.memory_space<hbm>>) target(%arg7 : memref<128x128xf32, #tpu.memory_space<vmem>>) offsets(%arg5 : memref<128xi32, #tpu.memory_space<vmem>>) semaphore(%arg9 : memref<!tpu.dma_semaphore, #tpu.memory_space<semaphore_mem>>)
    %dma_wait3A_99 = arith.constant 0 : i32
    %dma_wait3A_100 = arith.constant 0 : i32
    %dma_wait3A_101 = tpu.memref_slice %arg2[%dma_wait3A_99, %dma_wait3A_100] : memref<8192x128xf32, #tpu.memory_space<hbm>> -> memref<8192x128xf32, #tpu.memory_space<hbm>>
    tpu.wait_indirect_dma semaphore(%arg10 : memref<!tpu.dma_semaphore, #tpu.memory_space<semaphore_mem>>) src(%dma_wait3A_101 : memref<8192x128xf32, #tpu.memory_space<hbm>>) dst(%arg8 : memref<128x128xf32, #tpu.memory_space<vmem>>)
    %add3A_102 = arith.constant 1152 : i32
    %add3A_103 = arith.addi %mul3A_2, %add3A_102 : i32
    "tpu.region"() ({
      %run_scoped3A = tpu.sem_alloc : memref<!tpu.dma_semaphore, #tpu.memory_space<semaphore_mem>>
      %dma_start3A_159 = arith.constant 0 : i32
      %dma_start3A_160 = tpu.memref_slice %arg4[%add3A_103, %dma_start3A_159] : memref<65536x128xf32, #tpu.memory_space<hbm>> -> memref<128x128xf32, #tpu.memory_space<hbm>>
      %dma_start3A_161 = arith.constant 0 : i32
      %dma_start3A_162 = tpu.memref_slice %arg4[%add3A_103, %dma_start3A_161] : memref<65536x128xf32, #tpu.memory_space<hbm>> -> memref<128x128xf32, #tpu.memory_space<hbm>>
      tpu.enqueue_dma source(%arg8 : memref<128x128xf32, #tpu.memory_space<vmem>>) target(%dma_start3A_162 : memref<128x128xf32, #tpu.memory_space<hbm>>) target_semaphore(%run_scoped3A : memref<!tpu.dma_semaphore, #tpu.memory_space<semaphore_mem>>)
      %dma_wait3A_163 = arith.constant 0 : i32
      %dma_wait3A_164 = tpu.memref_slice %arg4[%add3A_103, %dma_wait3A_163] : memref<65536x128xf32, #tpu.memory_space<hbm>> -> memref<128x128xf32, #tpu.memory_space<hbm>>
      %dma_wait3A_165 = arith.constant 0 : i32
      %dma_wait3A_166 = tpu.memref_slice %arg4[%add3A_103, %dma_wait3A_165] : memref<65536x128xf32, #tpu.memory_space<hbm>> -> memref<128x128xf32, #tpu.memory_space<hbm>>
      tpu.wait_dma2 semaphore(%run_scoped3A : memref<!tpu.dma_semaphore, #tpu.memory_space<semaphore_mem>>) src(%arg8 : memref<128x128xf32, #tpu.memory_space<vmem>>) dst(%dma_wait3A_166 : memref<128x128xf32, #tpu.memory_space<hbm>>)
      tpu.yield
    }) : () -> ()
    %add3A_104 = arith.constant 1408 : i32
    %add3A_105 = arith.addi %mul3A_2, %add3A_104 : i32
    "tpu.region"() ({
      %run_scoped3A = tpu.sem_alloc : memref<!tpu.dma_semaphore, #tpu.memory_space<semaphore_mem>>
      %dma_start3A_159 = tpu.memref_slice %arg3[%add3A_105] : memref<65536xi32, #tpu.memory_space<hbm>> -> memref<128xi32, #tpu.memory_space<hbm>>
      %dma_start3A_160 = tpu.memref_slice %arg3[%add3A_105] : memref<65536xi32, #tpu.memory_space<hbm>> -> memref<128xi32, #tpu.memory_space<hbm>>
      tpu.enqueue_dma source(%dma_start3A_160 : memref<128xi32, #tpu.memory_space<hbm>>) target(%arg6 : memref<128xi32, #tpu.memory_space<vmem>>) target_semaphore(%run_scoped3A : memref<!tpu.dma_semaphore, #tpu.memory_space<semaphore_mem>>)
      %dma_wait3A_161 = tpu.memref_slice %arg3[%add3A_105] : memref<65536xi32, #tpu.memory_space<hbm>> -> memref<128xi32, #tpu.memory_space<hbm>>
      %dma_wait3A_162 = tpu.memref_slice %arg3[%add3A_105] : memref<65536xi32, #tpu.memory_space<hbm>> -> memref<128xi32, #tpu.memory_space<hbm>>
      tpu.wait_dma2 semaphore(%run_scoped3A : memref<!tpu.dma_semaphore, #tpu.memory_space<semaphore_mem>>) src(%dma_wait3A_162 : memref<128xi32, #tpu.memory_space<hbm>>) dst(%arg6 : memref<128xi32, #tpu.memory_space<vmem>>)
      tpu.yield
    }) : () -> ()
    %dma_start3A_106 = arith.constant 0 : i32
    %dma_start3A_107 = arith.constant 0 : i32
    %dma_start3A_108 = tpu.memref_slice %arg2[%dma_start3A_106, %dma_start3A_107] : memref<8192x128xf32, #tpu.memory_space<hbm>> -> memref<8192x128xf32, #tpu.memory_space<hbm>>
    tpu.enqueue_indirect_dma source(%dma_start3A_108 : memref<8192x128xf32, #tpu.memory_space<hbm>>) target(%arg8 : memref<128x128xf32, #tpu.memory_space<vmem>>) offsets(%arg6 : memref<128xi32, #tpu.memory_space<vmem>>) semaphore(%arg10 : memref<!tpu.dma_semaphore, #tpu.memory_space<semaphore_mem>>)
    %dma_wait3A_109 = arith.constant 0 : i32
    %dma_wait3A_110 = arith.constant 0 : i32
    %dma_wait3A_111 = tpu.memref_slice %arg2[%dma_wait3A_109, %dma_wait3A_110] : memref<8192x128xf32, #tpu.memory_space<hbm>> -> memref<8192x128xf32, #tpu.memory_space<hbm>>
    tpu.wait_indirect_dma semaphore(%arg9 : memref<!tpu.dma_semaphore, #tpu.memory_space<semaphore_mem>>) src(%dma_wait3A_111 : memref<8192x128xf32, #tpu.memory_space<hbm>>) dst(%arg7 : memref<128x128xf32, #tpu.memory_space<vmem>>)
    %add3A_112 = arith.constant 1280 : i32
    %add3A_113 = arith.addi %mul3A_2, %add3A_112 : i32
    "tpu.region"() ({
      %run_scoped3A = tpu.sem_alloc : memref<!tpu.dma_semaphore, #tpu.memory_space<semaphore_mem>>
      %dma_start3A_159 = arith.constant 0 : i32
      %dma_start3A_160 = tpu.memref_slice %arg4[%add3A_113, %dma_start3A_159] : memref<65536x128xf32, #tpu.memory_space<hbm>> -> memref<128x128xf32, #tpu.memory_space<hbm>>
      %dma_start3A_161 = arith.constant 0 : i32
      %dma_start3A_162 = tpu.memref_slice %arg4[%add3A_113, %dma_start3A_161] : memref<65536x128xf32, #tpu.memory_space<hbm>> -> memref<128x128xf32, #tpu.memory_space<hbm>>
      tpu.enqueue_dma source(%arg7 : memref<128x128xf32, #tpu.memory_space<vmem>>) target(%dma_start3A_162 : memref<128x128xf32, #tpu.memory_space<hbm>>) target_semaphore(%run_scoped3A : memref<!tpu.dma_semaphore, #tpu.memory_space<semaphore_mem>>)
      %dma_wait3A_163 = arith.constant 0 : i32
      %dma_wait3A_164 = tpu.memref_slice %arg4[%add3A_113, %dma_wait3A_163] : memref<65536x128xf32, #tpu.memory_space<hbm>> -> memref<128x128xf32, #tpu.memory_space<hbm>>
      %dma_wait3A_165 = arith.constant 0 : i32
      %dma_wait3A_166 = tpu.memref_slice %arg4[%add3A_113, %dma_wait3A_165] : memref<65536x128xf32, #tpu.memory_space<hbm>> -> memref<128x128xf32, #tpu.memory_space<hbm>>
      tpu.wait_dma2 semaphore(%run_scoped3A : memref<!tpu.dma_semaphore, #tpu.memory_space<semaphore_mem>>) src(%arg7 : memref<128x128xf32, #tpu.memory_space<vmem>>) dst(%dma_wait3A_166 : memref<128x128xf32, #tpu.memory_space<hbm>>)
      tpu.yield
    }) : () -> ()
    %add3A_114 = arith.constant 1536 : i32
    %add3A_115 = arith.addi %mul3A_2, %add3A_114 : i32
    "tpu.region"() ({
      %run_scoped3A = tpu.sem_alloc : memref<!tpu.dma_semaphore, #tpu.memory_space<semaphore_mem>>
      %dma_start3A_159 = tpu.memref_slice %arg3[%add3A_115] : memref<65536xi32, #tpu.memory_space<hbm>> -> memref<128xi32, #tpu.memory_space<hbm>>
      %dma_start3A_160 = tpu.memref_slice %arg3[%add3A_115] : memref<65536xi32, #tpu.memory_space<hbm>> -> memref<128xi32, #tpu.memory_space<hbm>>
      tpu.enqueue_dma source(%dma_start3A_160 : memref<128xi32, #tpu.memory_space<hbm>>) target(%arg5 : memref<128xi32, #tpu.memory_space<vmem>>) target_semaphore(%run_scoped3A : memref<!tpu.dma_semaphore, #tpu.memory_space<semaphore_mem>>)
      %dma_wait3A_161 = tpu.memref_slice %arg3[%add3A_115] : memref<65536xi32, #tpu.memory_space<hbm>> -> memref<128xi32, #tpu.memory_space<hbm>>
      %dma_wait3A_162 = tpu.memref_slice %arg3[%add3A_115] : memref<65536xi32, #tpu.memory_space<hbm>> -> memref<128xi32, #tpu.memory_space<hbm>>
      tpu.wait_dma2 semaphore(%run_scoped3A : memref<!tpu.dma_semaphore, #tpu.memory_space<semaphore_mem>>) src(%dma_wait3A_162 : memref<128xi32, #tpu.memory_space<hbm>>) dst(%arg5 : memref<128xi32, #tpu.memory_space<vmem>>)
      tpu.yield
    }) : () -> ()
    %dma_start3A_116 = arith.constant 0 : i32
    %dma_start3A_117 = arith.constant 0 : i32
    %dma_start3A_118 = tpu.memref_slice %arg2[%dma_start3A_116, %dma_start3A_117] : memref<8192x128xf32, #tpu.memory_space<hbm>> -> memref<8192x128xf32, #tpu.memory_space<hbm>>
    tpu.enqueue_indirect_dma source(%dma_start3A_118 : memref<8192x128xf32, #tpu.memory_space<hbm>>) target(%arg7 : memref<128x128xf32, #tpu.memory_space<vmem>>) offsets(%arg5 : memref<128xi32, #tpu.memory_space<vmem>>) semaphore(%arg9 : memref<!tpu.dma_semaphore, #tpu.memory_space<semaphore_mem>>)
    %dma_wait3A_119 = arith.constant 0 : i32
    %dma_wait3A_120 = arith.constant 0 : i32
    %dma_wait3A_121 = tpu.memref_slice %arg2[%dma_wait3A_119, %dma_wait3A_120] : memref<8192x128xf32, #tpu.memory_space<hbm>> -> memref<8192x128xf32, #tpu.memory_space<hbm>>
    tpu.wait_indirect_dma semaphore(%arg10 : memref<!tpu.dma_semaphore, #tpu.memory_space<semaphore_mem>>) src(%dma_wait3A_121 : memref<8192x128xf32, #tpu.memory_space<hbm>>) dst(%arg8 : memref<128x128xf32, #tpu.memory_space<vmem>>)
    %add3A_122 = arith.constant 1408 : i32
    %add3A_123 = arith.addi %mul3A_2, %add3A_122 : i32
    "tpu.region"() ({
      %run_scoped3A = tpu.sem_alloc : memref<!tpu.dma_semaphore, #tpu.memory_space<semaphore_mem>>
      %dma_start3A_159 = arith.constant 0 : i32
      %dma_start3A_160 = tpu.memref_slice %arg4[%add3A_123, %dma_start3A_159] : memref<65536x128xf32, #tpu.memory_space<hbm>> -> memref<128x128xf32, #tpu.memory_space<hbm>>
      %dma_start3A_161 = arith.constant 0 : i32
      %dma_start3A_162 = tpu.memref_slice %arg4[%add3A_123, %dma_start3A_161] : memref<65536x128xf32, #tpu.memory_space<hbm>> -> memref<128x128xf32, #tpu.memory_space<hbm>>
      tpu.enqueue_dma source(%arg8 : memref<128x128xf32, #tpu.memory_space<vmem>>) target(%dma_start3A_162 : memref<128x128xf32, #tpu.memory_space<hbm>>) target_semaphore(%run_scoped3A : memref<!tpu.dma_semaphore, #tpu.memory_space<semaphore_mem>>)
      %dma_wait3A_163 = arith.constant 0 : i32
      %dma_wait3A_164 = tpu.memref_slice %arg4[%add3A_123, %dma_wait3A_163] : memref<65536x128xf32, #tpu.memory_space<hbm>> -> memref<128x128xf32, #tpu.memory_space<hbm>>
      %dma_wait3A_165 = arith.constant 0 : i32
      %dma_wait3A_166 = tpu.memref_slice %arg4[%add3A_123, %dma_wait3A_165] : memref<65536x128xf32, #tpu.memory_space<hbm>> -> memref<128x128xf32, #tpu.memory_space<hbm>>
      tpu.wait_dma2 semaphore(%run_scoped3A : memref<!tpu.dma_semaphore, #tpu.memory_space<semaphore_mem>>) src(%arg8 : memref<128x128xf32, #tpu.memory_space<vmem>>) dst(%dma_wait3A_166 : memref<128x128xf32, #tpu.memory_space<hbm>>)
      tpu.yield
    }) : () -> ()
    %add3A_124 = arith.constant 1664 : i32
    %add3A_125 = arith.addi %mul3A_2, %add3A_124 : i32
    "tpu.region"() ({
      %run_scoped3A = tpu.sem_alloc : memref<!tpu.dma_semaphore, #tpu.memory_space<semaphore_mem>>
      %dma_start3A_159 = tpu.memref_slice %arg3[%add3A_125] : memref<65536xi32, #tpu.memory_space<hbm>> -> memref<128xi32, #tpu.memory_space<hbm>>
      %dma_start3A_160 = tpu.memref_slice %arg3[%add3A_125] : memref<65536xi32, #tpu.memory_space<hbm>> -> memref<128xi32, #tpu.memory_space<hbm>>
      tpu.enqueue_dma source(%dma_start3A_160 : memref<128xi32, #tpu.memory_space<hbm>>) target(%arg6 : memref<128xi32, #tpu.memory_space<vmem>>) target_semaphore(%run_scoped3A : memref<!tpu.dma_semaphore, #tpu.memory_space<semaphore_mem>>)
      %dma_wait3A_161 = tpu.memref_slice %arg3[%add3A_125] : memref<65536xi32, #tpu.memory_space<hbm>> -> memref<128xi32, #tpu.memory_space<hbm>>
      %dma_wait3A_162 = tpu.memref_slice %arg3[%add3A_125] : memref<65536xi32, #tpu.memory_space<hbm>> -> memref<128xi32, #tpu.memory_space<hbm>>
      tpu.wait_dma2 semaphore(%run_scoped3A : memref<!tpu.dma_semaphore, #tpu.memory_space<semaphore_mem>>) src(%dma_wait3A_162 : memref<128xi32, #tpu.memory_space<hbm>>) dst(%arg6 : memref<128xi32, #tpu.memory_space<vmem>>)
      tpu.yield
    }) : () -> ()
    %dma_start3A_126 = arith.constant 0 : i32
    %dma_start3A_127 = arith.constant 0 : i32
    %dma_start3A_128 = tpu.memref_slice %arg2[%dma_start3A_126, %dma_start3A_127] : memref<8192x128xf32, #tpu.memory_space<hbm>> -> memref<8192x128xf32, #tpu.memory_space<hbm>>
    tpu.enqueue_indirect_dma source(%dma_start3A_128 : memref<8192x128xf32, #tpu.memory_space<hbm>>) target(%arg8 : memref<128x128xf32, #tpu.memory_space<vmem>>) offsets(%arg6 : memref<128xi32, #tpu.memory_space<vmem>>) semaphore(%arg10 : memref<!tpu.dma_semaphore, #tpu.memory_space<semaphore_mem>>)
    %dma_wait3A_129 = arith.constant 0 : i32
    %dma_wait3A_130 = arith.constant 0 : i32
    %dma_wait3A_131 = tpu.memref_slice %arg2[%dma_wait3A_129, %dma_wait3A_130] : memref<8192x128xf32, #tpu.memory_space<hbm>> -> memref<8192x128xf32, #tpu.memory_space<hbm>>
    tpu.wait_indirect_dma semaphore(%arg9 : memref<!tpu.dma_semaphore, #tpu.memory_space<semaphore_mem>>) src(%dma_wait3A_131 : memref<8192x128xf32, #tpu.memory_space<hbm>>) dst(%arg7 : memref<128x128xf32, #tpu.memory_space<vmem>>)
    %add3A_132 = arith.constant 1536 : i32
    %add3A_133 = arith.addi %mul3A_2, %add3A_132 : i32
    "tpu.region"() ({
      %run_scoped3A = tpu.sem_alloc : memref<!tpu.dma_semaphore, #tpu.memory_space<semaphore_mem>>
      %dma_start3A_159 = arith.constant 0 : i32
      %dma_start3A_160 = tpu.memref_slice %arg4[%add3A_133, %dma_start3A_159] : memref<65536x128xf32, #tpu.memory_space<hbm>> -> memref<128x128xf32, #tpu.memory_space<hbm>>
      %dma_start3A_161 = arith.constant 0 : i32
      %dma_start3A_162 = tpu.memref_slice %arg4[%add3A_133, %dma_start3A_161] : memref<65536x128xf32, #tpu.memory_space<hbm>> -> memref<128x128xf32, #tpu.memory_space<hbm>>
      tpu.enqueue_dma source(%arg7 : memref<128x128xf32, #tpu.memory_space<vmem>>) target(%dma_start3A_162 : memref<128x128xf32, #tpu.memory_space<hbm>>) target_semaphore(%run_scoped3A : memref<!tpu.dma_semaphore, #tpu.memory_space<semaphore_mem>>)
      %dma_wait3A_163 = arith.constant 0 : i32
      %dma_wait3A_164 = tpu.memref_slice %arg4[%add3A_133, %dma_wait3A_163] : memref<65536x128xf32, #tpu.memory_space<hbm>> -> memref<128x128xf32, #tpu.memory_space<hbm>>
      %dma_wait3A_165 = arith.constant 0 : i32
      %dma_wait3A_166 = tpu.memref_slice %arg4[%add3A_133, %dma_wait3A_165] : memref<65536x128xf32, #tpu.memory_space<hbm>> -> memref<128x128xf32, #tpu.memory_space<hbm>>
      tpu.wait_dma2 semaphore(%run_scoped3A : memref<!tpu.dma_semaphore, #tpu.memory_space<semaphore_mem>>) src(%arg7 : memref<128x128xf32, #tpu.memory_space<vmem>>) dst(%dma_wait3A_166 : memref<128x128xf32, #tpu.memory_space<hbm>>)
      tpu.yield
    }) : () -> ()
    %add3A_134 = arith.constant 1792 : i32
    %add3A_135 = arith.addi %mul3A_2, %add3A_134 : i32
    "tpu.region"() ({
      %run_scoped3A = tpu.sem_alloc : memref<!tpu.dma_semaphore, #tpu.memory_space<semaphore_mem>>
      %dma_start3A_159 = tpu.memref_slice %arg3[%add3A_135] : memref<65536xi32, #tpu.memory_space<hbm>> -> memref<128xi32, #tpu.memory_space<hbm>>
      %dma_start3A_160 = tpu.memref_slice %arg3[%add3A_135] : memref<65536xi32, #tpu.memory_space<hbm>> -> memref<128xi32, #tpu.memory_space<hbm>>
      tpu.enqueue_dma source(%dma_start3A_160 : memref<128xi32, #tpu.memory_space<hbm>>) target(%arg5 : memref<128xi32, #tpu.memory_space<vmem>>) target_semaphore(%run_scoped3A : memref<!tpu.dma_semaphore, #tpu.memory_space<semaphore_mem>>)
      %dma_wait3A_161 = tpu.memref_slice %arg3[%add3A_135] : memref<65536xi32, #tpu.memory_space<hbm>> -> memref<128xi32, #tpu.memory_space<hbm>>
      %dma_wait3A_162 = tpu.memref_slice %arg3[%add3A_135] : memref<65536xi32, #tpu.memory_space<hbm>> -> memref<128xi32, #tpu.memory_space<hbm>>
      tpu.wait_dma2 semaphore(%run_scoped3A : memref<!tpu.dma_semaphore, #tpu.memory_space<semaphore_mem>>) src(%dma_wait3A_162 : memref<128xi32, #tpu.memory_space<hbm>>) dst(%arg5 : memref<128xi32, #tpu.memory_space<vmem>>)
      tpu.yield
    }) : () -> ()
    %dma_start3A_136 = arith.constant 0 : i32
    %dma_start3A_137 = arith.constant 0 : i32
    %dma_start3A_138 = tpu.memref_slice %arg2[%dma_start3A_136, %dma_start3A_137] : memref<8192x128xf32, #tpu.memory_space<hbm>> -> memref<8192x128xf32, #tpu.memory_space<hbm>>
    tpu.enqueue_indirect_dma source(%dma_start3A_138 : memref<8192x128xf32, #tpu.memory_space<hbm>>) target(%arg7 : memref<128x128xf32, #tpu.memory_space<vmem>>) offsets(%arg5 : memref<128xi32, #tpu.memory_space<vmem>>) semaphore(%arg9 : memref<!tpu.dma_semaphore, #tpu.memory_space<semaphore_mem>>)
    %dma_wait3A_139 = arith.constant 0 : i32
    %dma_wait3A_140 = arith.constant 0 : i32
    %dma_wait3A_141 = tpu.memref_slice %arg2[%dma_wait3A_139, %dma_wait3A_140] : memref<8192x128xf32, #tpu.memory_space<hbm>> -> memref<8192x128xf32, #tpu.memory_space<hbm>>
    tpu.wait_indirect_dma semaphore(%arg10 : memref<!tpu.dma_semaphore, #tpu.memory_space<semaphore_mem>>) src(%dma_wait3A_141 : memref<8192x128xf32, #tpu.memory_space<hbm>>) dst(%arg8 : memref<128x128xf32, #tpu.memory_space<vmem>>)
    %add3A_142 = arith.constant 1664 : i32
    %add3A_143 = arith.addi %mul3A_2, %add3A_142 : i32
    "tpu.region"() ({
      %run_scoped3A = tpu.sem_alloc : memref<!tpu.dma_semaphore, #tpu.memory_space<semaphore_mem>>
      %dma_start3A_159 = arith.constant 0 : i32
      %dma_start3A_160 = tpu.memref_slice %arg4[%add3A_143, %dma_start3A_159] : memref<65536x128xf32, #tpu.memory_space<hbm>> -> memref<128x128xf32, #tpu.memory_space<hbm>>
      %dma_start3A_161 = arith.constant 0 : i32
      %dma_start3A_162 = tpu.memref_slice %arg4[%add3A_143, %dma_start3A_161] : memref<65536x128xf32, #tpu.memory_space<hbm>> -> memref<128x128xf32, #tpu.memory_space<hbm>>
      tpu.enqueue_dma source(%arg8 : memref<128x128xf32, #tpu.memory_space<vmem>>) target(%dma_start3A_162 : memref<128x128xf32, #tpu.memory_space<hbm>>) target_semaphore(%run_scoped3A : memref<!tpu.dma_semaphore, #tpu.memory_space<semaphore_mem>>)
      %dma_wait3A_163 = arith.constant 0 : i32
      %dma_wait3A_164 = tpu.memref_slice %arg4[%add3A_143, %dma_wait3A_163] : memref<65536x128xf32, #tpu.memory_space<hbm>> -> memref<128x128xf32, #tpu.memory_space<hbm>>
      %dma_wait3A_165 = arith.constant 0 : i32
      %dma_wait3A_166 = tpu.memref_slice %arg4[%add3A_143, %dma_wait3A_165] : memref<65536x128xf32, #tpu.memory_space<hbm>> -> memref<128x128xf32, #tpu.memory_space<hbm>>
      tpu.wait_dma2 semaphore(%run_scoped3A : memref<!tpu.dma_semaphore, #tpu.memory_space<semaphore_mem>>) src(%arg8 : memref<128x128xf32, #tpu.memory_space<vmem>>) dst(%dma_wait3A_166 : memref<128x128xf32, #tpu.memory_space<hbm>>)
      tpu.yield
    }) : () -> ()
    %add3A_144 = arith.constant 1920 : i32
    %add3A_145 = arith.addi %mul3A_2, %add3A_144 : i32
    "tpu.region"() ({
      %run_scoped3A = tpu.sem_alloc : memref<!tpu.dma_semaphore, #tpu.memory_space<semaphore_mem>>
      %dma_start3A_159 = tpu.memref_slice %arg3[%add3A_145] : memref<65536xi32, #tpu.memory_space<hbm>> -> memref<128xi32, #tpu.memory_space<hbm>>
      %dma_start3A_160 = tpu.memref_slice %arg3[%add3A_145] : memref<65536xi32, #tpu.memory_space<hbm>> -> memref<128xi32, #tpu.memory_space<hbm>>
      tpu.enqueue_dma source(%dma_start3A_160 : memref<128xi32, #tpu.memory_space<hbm>>) target(%arg6 : memref<128xi32, #tpu.memory_space<vmem>>) target_semaphore(%run_scoped3A : memref<!tpu.dma_semaphore, #tpu.memory_space<semaphore_mem>>)
      %dma_wait3A_161 = tpu.memref_slice %arg3[%add3A_145] : memref<65536xi32, #tpu.memory_space<hbm>> -> memref<128xi32, #tpu.memory_space<hbm>>
      %dma_wait3A_162 = tpu.memref_slice %arg3[%add3A_145] : memref<65536xi32, #tpu.memory_space<hbm>> -> memref<128xi32, #tpu.memory_space<hbm>>
      tpu.wait_dma2 semaphore(%run_scoped3A : memref<!tpu.dma_semaphore, #tpu.memory_space<semaphore_mem>>) src(%dma_wait3A_162 : memref<128xi32, #tpu.memory_space<hbm>>) dst(%arg6 : memref<128xi32, #tpu.memory_space<vmem>>)
      tpu.yield
    }) : () -> ()
    %dma_start3A_146 = arith.constant 0 : i32
    %dma_start3A_147 = arith.constant 0 : i32
    %dma_start3A_148 = tpu.memref_slice %arg2[%dma_start3A_146, %dma_start3A_147] : memref<8192x128xf32, #tpu.memory_space<hbm>> -> memref<8192x128xf32, #tpu.memory_space<hbm>>
    tpu.enqueue_indirect_dma source(%dma_start3A_148 : memref<8192x128xf32, #tpu.memory_space<hbm>>) target(%arg8 : memref<128x128xf32, #tpu.memory_space<vmem>>) offsets(%arg6 : memref<128xi32, #tpu.memory_space<vmem>>) semaphore(%arg10 : memref<!tpu.dma_semaphore, #tpu.memory_space<semaphore_mem>>)
    %dma_wait3A_149 = arith.constant 0 : i32
    %dma_wait3A_150 = arith.constant 0 : i32
    %dma_wait3A_151 = tpu.memref_slice %arg2[%dma_wait3A_149, %dma_wait3A_150] : memref<8192x128xf32, #tpu.memory_space<hbm>> -> memref<8192x128xf32, #tpu.memory_space<hbm>>
    tpu.wait_indirect_dma semaphore(%arg9 : memref<!tpu.dma_semaphore, #tpu.memory_space<semaphore_mem>>) src(%dma_wait3A_151 : memref<8192x128xf32, #tpu.memory_space<hbm>>) dst(%arg7 : memref<128x128xf32, #tpu.memory_space<vmem>>)
    %add3A_152 = arith.constant 1792 : i32
    %add3A_153 = arith.addi %mul3A_2, %add3A_152 : i32
    "tpu.region"() ({
      %run_scoped3A = tpu.sem_alloc : memref<!tpu.dma_semaphore, #tpu.memory_space<semaphore_mem>>
      %dma_start3A_159 = arith.constant 0 : i32
      %dma_start3A_160 = tpu.memref_slice %arg4[%add3A_153, %dma_start3A_159] : memref<65536x128xf32, #tpu.memory_space<hbm>> -> memref<128x128xf32, #tpu.memory_space<hbm>>
      %dma_start3A_161 = arith.constant 0 : i32
      %dma_start3A_162 = tpu.memref_slice %arg4[%add3A_153, %dma_start3A_161] : memref<65536x128xf32, #tpu.memory_space<hbm>> -> memref<128x128xf32, #tpu.memory_space<hbm>>
      tpu.enqueue_dma source(%arg7 : memref<128x128xf32, #tpu.memory_space<vmem>>) target(%dma_start3A_162 : memref<128x128xf32, #tpu.memory_space<hbm>>) target_semaphore(%run_scoped3A : memref<!tpu.dma_semaphore, #tpu.memory_space<semaphore_mem>>)
      %dma_wait3A_163 = arith.constant 0 : i32
      %dma_wait3A_164 = tpu.memref_slice %arg4[%add3A_153, %dma_wait3A_163] : memref<65536x128xf32, #tpu.memory_space<hbm>> -> memref<128x128xf32, #tpu.memory_space<hbm>>
      %dma_wait3A_165 = arith.constant 0 : i32
      %dma_wait3A_166 = tpu.memref_slice %arg4[%add3A_153, %dma_wait3A_165] : memref<65536x128xf32, #tpu.memory_space<hbm>> -> memref<128x128xf32, #tpu.memory_space<hbm>>
      tpu.wait_dma2 semaphore(%run_scoped3A : memref<!tpu.dma_semaphore, #tpu.memory_space<semaphore_mem>>) src(%arg7 : memref<128x128xf32, #tpu.memory_space<vmem>>) dst(%dma_wait3A_166 : memref<128x128xf32, #tpu.memory_space<hbm>>)
      tpu.yield
    }) : () -> ()
    %dma_wait3A_154 = arith.constant 0 : i32
    %dma_wait3A_155 = arith.constant 0 : i32
    %dma_wait3A_156 = tpu.memref_slice %arg2[%dma_wait3A_154, %dma_wait3A_155] : memref<8192x128xf32, #tpu.memory_space<hbm>> -> memref<8192x128xf32, #tpu.memory_space<hbm>>
    tpu.wait_indirect_dma semaphore(%arg10 : memref<!tpu.dma_semaphore, #tpu.memory_space<semaphore_mem>>) src(%dma_wait3A_156 : memref<8192x128xf32, #tpu.memory_space<hbm>>) dst(%arg8 : memref<128x128xf32, #tpu.memory_space<vmem>>)
    %add3A_157 = arith.constant 1920 : i32
    %add3A_158 = arith.addi %mul3A_2, %add3A_157 : i32
    "tpu.region"() ({
      %run_scoped3A = tpu.sem_alloc : memref<!tpu.dma_semaphore, #tpu.memory_space<semaphore_mem>>
      %dma_start3A_159 = arith.constant 0 : i32
      %dma_start3A_160 = tpu.memref_slice %arg4[%add3A_158, %dma_start3A_159] : memref<65536x128xf32, #tpu.memory_space<hbm>> -> memref<128x128xf32, #tpu.memory_space<hbm>>
      %dma_start3A_161 = arith.constant 0 : i32
      %dma_start3A_162 = tpu.memref_slice %arg4[%add3A_158, %dma_start3A_161] : memref<65536x128xf32, #tpu.memory_space<hbm>> -> memref<128x128xf32, #tpu.memory_space<hbm>>
      tpu.enqueue_dma source(%arg8 : memref<128x128xf32, #tpu.memory_space<vmem>>) target(%dma_start3A_162 : memref<128x128xf32, #tpu.memory_space<hbm>>) target_semaphore(%run_scoped3A : memref<!tpu.dma_semaphore, #tpu.memory_space<semaphore_mem>>)
      %dma_wait3A_163 = arith.constant 0 : i32
      %dma_wait3A_164 = tpu.memref_slice %arg4[%add3A_158, %dma_wait3A_163] : memref<65536x128xf32, #tpu.memory_space<hbm>> -> memref<128x128xf32, #tpu.memory_space<hbm>>
      %dma_wait3A_165 = arith.constant 0 : i32
      %dma_wait3A_166 = tpu.memref_slice %arg4[%add3A_158, %dma_wait3A_165] : memref<65536x128xf32, #tpu.memory_space<hbm>> -> memref<128x128xf32, #tpu.memory_space<hbm>>
      tpu.wait_dma2 semaphore(%run_scoped3A : memref<!tpu.dma_semaphore, #tpu.memory_space<semaphore_mem>>) src(%arg8 : memref<128x128xf32, #tpu.memory_space<vmem>>) dst(%dma_wait3A_166 : memref<128x128xf32, #tpu.memory_space<hbm>>)
      tpu.yield
    }) : () -> ()
    return
  }
}

module attributes {stable_mosaic.version = 14 : i64} {
  func.func @_gbar_body(%arg0: memref<8192x64xf32, #tpu.memory_space<vmem>>, %arg1: memref<1x64xf32, #tpu.memory_space<vmem>>, %arg2: memref<1x1xf32, #tpu.memory_space<vmem>>, %arg3: memref<8192x128xf32, #tpu.memory_space<vmem>>) attributes {dimension_semantics = [], scalar_prefetch = 0 : i64, scratch_operands = 0 : i64, tpu.core_type = #tpu.core_type<tc>} {
    %get3A = arith.constant 0 : index
    %get3A_0 = arith.constant 0 : index
    %get3A_1 = vector.load %arg0[%get3A, %get3A_0] : memref<8192x64xf32, #tpu.memory_space<vmem>>, vector<8192x64xf32>
    %reduce_sum3A = arith.constant dense<0.000000e+00> : vector<64xf32>
    %reduce_sum3A_2 = vector.multi_reduction <add>, %get3A_1, %reduce_sum3A [0] : vector<8192x64xf32> to vector<64xf32>
    %broadcast_in_dim3A = vector.shape_cast %reduce_sum3A_2 : vector<64xf32> to vector<1x64xf32>
    %div3A = arith.constant 8.192000e+03 : f32
    %div3A_3 = vector.broadcast %div3A : f32 to vector<1x64xf32>
    %div3A_4 = arith.divf %broadcast_in_dim3A, %div3A_3 : vector<1x64xf32>
    %jit3A = arith.constant 9.99999993E-9 : f32
    %max3A = vector.broadcast %jit3A : f32 to vector<1x64xf32>
    %max3A_5 = arith.maximumf %max3A, %div3A_4 : vector<1x64xf32>
    %swap3A = arith.constant 0 : index
    %swap3A_6 = arith.constant 0 : index
    %swap3A_7 = vector.load %arg1[%swap3A, %swap3A_6] : memref<1x64xf32, #tpu.memory_space<vmem>>, vector<1x64xf32>
    tpu.vector_store %arg1[%swap3A, %swap3A_6], %max3A_5 {strides = array<i32>} : memref<1x64xf32, #tpu.memory_space<vmem>>, vector<1x64xf32>,
    %log3A = math.log %max3A_5 : vector<1x64xf32>
    %mul3A = arith.mulf %max3A_5, %log3A : vector<1x64xf32>
    %reduce_sum3A_8 = arith.constant dense<0.000000e+00> : vector<1xf32>
    %reduce_sum3A_9 = vector.multi_reduction <add>, %mul3A, %reduce_sum3A_8 [1] : vector<1x64xf32> to vector<1xf32>
    %broadcast_in_dim3A_10 = vector.shape_cast %reduce_sum3A_9 : vector<1xf32> to vector<1x1xf32>
    %swap3A_11 = arith.constant 0 : index
    %swap3A_12 = arith.constant 0 : index
    %swap3A_13 = vector.load %arg2[%swap3A_11, %swap3A_12] : memref<1x1xf32, #tpu.memory_space<vmem>>, vector<1x1xf32>
    tpu.vector_store %arg2[%swap3A_11, %swap3A_12], %broadcast_in_dim3A_10 {strides = array<i32>} : memref<1x1xf32, #tpu.memory_space<vmem>>, vector<1x1xf32>,
    %jit3A_14 = arith.constant 9.99999993E-9 : f32
    %max3A_15 = vector.broadcast %jit3A_14 : f32 to vector<8192x64xf32>
    %max3A_16 = arith.maximumf %max3A_15, %get3A_1 : vector<8192x64xf32>
    %log3A_17 = math.log %max3A_16 : vector<8192x64xf32>
    %mul3A_18 = arith.mulf %max3A_16, %log3A_17 : vector<8192x64xf32>
    %reduce_sum3A_19 = arith.constant dense<0.000000e+00> : vector<8192xf32>
    %reduce_sum3A_20 = vector.multi_reduction <add>, %mul3A_18, %reduce_sum3A_19 [1] : vector<8192x64xf32> to vector<8192xf32>
    %broadcast_in_dim3A_21 = vector.shape_cast %reduce_sum3A_20 : vector<8192xf32> to vector<8192x1xf32>
    %broadcast_in_dim3A_22 = vector.shape_cast %broadcast_in_dim3A_21 : vector<8192x1xf32> to vector<8192x1xf32>
    %broadcast_in_dim3A_23 = vector.broadcast %broadcast_in_dim3A_22 : vector<8192x1xf32> to vector<8192x64xf32>
    %concatenate3A = tpu.concatenate %max3A_16, %broadcast_in_dim3A_23 in 1 : vector<8192x64xf32>, vector<8192x64xf32> -> vector<8192x128xf32>
    %swap3A_24 = arith.constant 0 : index
    %swap3A_25 = arith.constant 0 : index
    %swap3A_26 = vector.load %arg3[%swap3A_24, %swap3A_25] : memref<8192x128xf32, #tpu.memory_space<vmem>>, vector<8192x128xf32>
    tpu.vector_store %arg3[%swap3A_24, %swap3A_25], %concatenate3A {strides = array<i32>} : memref<8192x128xf32, #tpu.memory_space<vmem>>, vector<8192x128xf32>,
    return
  }
}

module attributes {stable_mosaic.version = 14 : i64} {
  func.func @_topk_body(%arg0: i32, %arg1: memref<8192x128xf32, #tpu.memory_space<vmem>>, %arg2: memref<256x8xf32, #tpu.memory_space<vmem>>, %arg3: memref<256x8xi32, #tpu.memory_space<vmem>>, %arg4: memref<8192x128xf32, #tpu.memory_space<vmem>>, %arg5: memref<256x8192xf32, #tpu.memory_space<vmem>>) attributes {dimension_semantics = [#tpu.dimension_semantics<arbitrary>], iteration_bounds = array<i64: 32>, scalar_prefetch = 0 : i64, scratch_operands = 2 : i64, tpu.core_type = #tpu.core_type<tc>, window_params = [{pipeline_mode = #tpu.pipeline_mode<synchronous>, transform_indices = @transform_0, window_bounds = array<i64: 8192, 128>}, {transform_indices = @transform_1, window_bounds = array<i64: 256, 8>}, {transform_indices = @transform_2, window_bounds = array<i64: 256, 8>}]} {
    %eq3A = arith.constant 0 : i32
    %eq3A_0 = arith.cmpi eq, %arg0, %eq3A : i32
    %convert_element_type3A = arith.extui %eq3A_0 : i1 to i32
    %cond3A = arith.constant 0 : i32
    %cond3A_1 = arith.cmpi ne, %convert_element_type3A, %cond3A : i32
    scf.if %cond3A_1 {
      %get3A_408 = arith.constant 0 : index
      %get3A_409 = arith.constant 0 : index
      %get3A_410 = vector.load %arg1[%get3A_408, %get3A_409] : memref<8192x128xf32, #tpu.memory_space<vmem>>, vector<8192x128xf32>
      %mul3A_411 = arith.mulf %get3A_410, %get3A_410 : vector<8192x128xf32>
      %reduce_sum3A_412 = arith.constant dense<0.000000e+00> : vector<8192xf32>
      %reduce_sum3A_413 = vector.multi_reduction <add>, %mul3A_411, %reduce_sum3A_412 [1] : vector<8192x128xf32> to vector<8192xf32>
      %broadcast_in_dim3A_414 = vector.shape_cast %reduce_sum3A_413 : vector<8192xf32> to vector<8192x1xf32>
      %sqrt3A = math.sqrt %broadcast_in_dim3A_414 : vector<8192x1xf32>
      %max3A_415 = arith.constant 9.99999996E-13 : f32
      %max3A_416 = vector.broadcast %max3A_415 : f32 to vector<8192x1xf32>
      %max3A_417 = arith.maximumf %sqrt3A, %max3A_416 : vector<8192x1xf32>
      %div3A = vector.broadcast %max3A_417 : vector<8192x1xf32> to vector<8192x128xf32>
      %div3A_418 = arith.divf %get3A_410, %div3A : vector<8192x128xf32>
      %swap3A_419 = arith.constant 0 : index
      %swap3A_420 = arith.constant 0 : index
      %swap3A_421 = vector.load %arg4[%swap3A_419, %swap3A_420] : memref<8192x128xf32, #tpu.memory_space<vmem>>, vector<8192x128xf32>
      tpu.vector_store %arg4[%swap3A_419, %swap3A_420], %div3A_418 {strides = array<i32>} : memref<8192x128xf32, #tpu.memory_space<vmem>>, vector<8192x128xf32>,
    } else {
    }
    %mul3A = arith.constant 256 : i32
    %mul3A_2 = arith.muli %arg0, %mul3A : i32
    %get3A = arith.index_cast %mul3A_2 : i32 to index
    %get3A_3 = arith.constant 0 : index
    %get3A_4 = vector.load %arg4[%get3A, %get3A_3] : memref<8192x128xf32, #tpu.memory_space<vmem>>, vector<256x128xf32>
    %get3A_5 = arith.constant 0 : index
    %get3A_6 = arith.constant 0 : index
    %get3A_7 = vector.load %arg4[%get3A_5, %get3A_6] : memref<8192x128xf32, #tpu.memory_space<vmem>>, vector<8192x128xf32>
    %dot_general3A = arith.constant dense<0.000000e+00> : vector<256x8192xf32>
    %dot_general3A_8 = tpu.matmul %get3A_4, %get3A_7, %dot_general3A {dimension_numbers = #tpu.dot_dimension_numbers<[1], [1], [0], [0], [0, 0, 1, 0], [], []>, transpose_lhs_hint = false} : vector<256x128xf32>, vector<8192x128xf32>, vector<256x8192xf32> -> vector<256x8192xf32>
    %swap3A = arith.constant 0 : index
    %swap3A_9 = arith.constant 0 : index
    %swap3A_10 = vector.load %arg5[%swap3A, %swap3A_9] : memref<256x8192xf32, #tpu.memory_space<vmem>>, vector<256x8192xf32>
    tpu.vector_store %arg5[%swap3A, %swap3A_9], %dot_general3A_8 {strides = array<i32>} : memref<256x8192xf32, #tpu.memory_space<vmem>>, vector<256x8192xf32>,
    %mul3A_11 = arith.constant 256 : i32
    %mul3A_12 = arith.muli %arg0, %mul3A_11 : i32
    %get3A_13 = arith.constant 0 : index
    %get3A_14 = arith.index_cast %mul3A_12 : i32 to index
    %get3A_15 = vector.load %arg5[%get3A_13, %get3A_14] : memref<256x8192xf32, #tpu.memory_space<vmem>>, vector<256x256xf32>
    %iota3A = tpu.iota {dimensions = array<i32: 0>} : vector<256x256xi32>
    %iota3A_16 = tpu.iota {dimensions = array<i32: 1>} : vector<256x256xi32>
    %eq3A_17 = arith.cmpi eq, %iota3A, %iota3A_16 : vector<256x256xi32>
    %jit3A = arith.constant 0.000000e+00 : f32
    %broadcast_in_dim3A = vector.broadcast %jit3A : f32 to vector<256x256xf32>
    %select_n3A = arith.select %eq3A_17, %broadcast_in_dim3A, %get3A_15 : vector<256x256xi1>, vector<256x256xf32>
    %mul3A_18 = arith.constant 256 : i32
    %mul3A_19 = arith.muli %arg0, %mul3A_18 : i32
    %swap3A_20 = arith.constant 0 : index
    %swap3A_21 = arith.index_cast %mul3A_19 : i32 to index
    %swap3A_22 = vector.load %arg5[%swap3A_20, %swap3A_21] : memref<256x8192xf32, #tpu.memory_space<vmem>>, vector<256x256xf32>
    tpu.vector_store %arg5[%swap3A_20, %swap3A_21], %select_n3A {strides = array<i32>} : memref<256x8192xf32, #tpu.memory_space<vmem>>, vector<256x256xf32>,
    %get3A_23 = arith.constant 0 : index
    %get3A_24 = arith.constant 0 : index
    %get3A_25 = vector.load %arg5[%get3A_23, %get3A_24] : memref<256x8192xf32, #tpu.memory_space<vmem>>, vector<256x8192xf32>
    %slice3A = vector.extract_strided_slice %get3A_25 {offsets = [0, 0], sizes = [256, 4096], strides = [1, 1]} : vector<256x8192xf32> to vector<256x4096xf32>
    %slice3A_26 = vector.extract_strided_slice %get3A_25 {offsets = [0, 4096], sizes = [256, 4096], strides = [1, 1]} : vector<256x8192xf32> to vector<256x4096xf32>
    %iota3A_27 = tpu.iota {dimensions = array<i32: 1>} : vector<1x4096xi32>
    %convert_element_type3A_28 = arith.sitofp %iota3A_27 : vector<1x4096xi32> to vector<1x4096xf32>
    %max3A = arith.maximumf %slice3A, %slice3A_26 : vector<256x4096xf32>
    %min3A = arith.minimumf %slice3A, %slice3A_26 : vector<256x4096xf32>
    %ge3A = arith.cmpf oge, %slice3A, %slice3A_26 : vector<256x4096xf32>
    %add3A = arith.constant 4.096000e+03 : f32
    %add3A_29 = vector.broadcast %add3A : f32 to vector<1x4096xf32>
    %add3A_30 = arith.addf %convert_element_type3A_28, %add3A_29 : vector<1x4096xf32>
    %broadcast_in_dim3A_31 = vector.shape_cast %convert_element_type3A_28 : vector<1x4096xf32> to vector<1x4096xf32>
    %broadcast_in_dim3A_32 = vector.broadcast %broadcast_in_dim3A_31 : vector<1x4096xf32> to vector<256x4096xf32>
    %broadcast_in_dim3A_33 = vector.shape_cast %add3A_30 : vector<1x4096xf32> to vector<1x4096xf32>
    %broadcast_in_dim3A_34 = vector.broadcast %broadcast_in_dim3A_33 : vector<1x4096xf32> to vector<256x4096xf32>
    %select_n3A_35 = arith.select %ge3A, %broadcast_in_dim3A_32, %broadcast_in_dim3A_34 : vector<256x4096xi1>, vector<256x4096xf32>
    %reduce_max3A = arith.constant dense<0xFF800000> : vector<256xf32>
    %reduce_max3A_36 = vector.multi_reduction <maximumf>, %max3A, %reduce_max3A [1] : vector<256x4096xf32> to vector<256xf32>
    %broadcast_in_dim3A_37 = vector.shape_cast %reduce_max3A_36 : vector<256xf32> to vector<256x1xf32>
    %eq3A_38 = vector.broadcast %broadcast_in_dim3A_37 : vector<256x1xf32> to vector<256x4096xf32>
    %eq3A_39 = arith.cmpf oeq, %max3A, %eq3A_38 : vector<256x4096xf32>
    %jit3A_40 = arith.constant 2.000000e+09 : f32
    %broadcast_in_dim3A_41 = vector.broadcast %jit3A_40 : f32 to vector<256x4096xf32>
    %select_n3A_42 = arith.select %eq3A_39, %select_n3A_35, %broadcast_in_dim3A_41 : vector<256x4096xi1>, vector<256x4096xf32>
    %reduce_min3A = arith.constant dense<0x7F800000> : vector<256xf32>
    %reduce_min3A_43 = vector.multi_reduction <minimumf>, %select_n3A_42, %reduce_min3A [1] : vector<256x4096xf32> to vector<256xf32>
    %broadcast_in_dim3A_44 = vector.shape_cast %reduce_min3A_43 : vector<256xf32> to vector<256x1xf32>
    %jit3A_45 = arith.constant -1.000000e+30 : f32
    %broadcast_in_dim3A_46 = vector.broadcast %jit3A_45 : f32 to vector<256x4096xf32>
    %select_n3A_47 = arith.select %eq3A_39, %min3A, %broadcast_in_dim3A_46 : vector<256x4096xi1>, vector<256x4096xf32>
    %reduce_max3A_48 = arith.constant dense<0xFF800000> : vector<256xf32>
    %reduce_max3A_49 = vector.multi_reduction <maximumf>, %select_n3A_47, %reduce_max3A_48 [1] : vector<256x4096xf32> to vector<256xf32>
    %broadcast_in_dim3A_50 = vector.shape_cast %reduce_max3A_49 : vector<256xf32> to vector<256x1xf32>
    %jit3A_51 = arith.constant -1.000000e+30 : f32
    %broadcast_in_dim3A_52 = vector.broadcast %jit3A_51 : f32 to vector<256x4096xf32>
    %select_n3A_53 = arith.select %eq3A_39, %broadcast_in_dim3A_52, %max3A : vector<256x4096xi1>, vector<256x4096xf32>
    %reduce_max3A_54 = arith.constant dense<0xFF800000> : vector<256xf32>
    %reduce_max3A_55 = vector.multi_reduction <maximumf>, %select_n3A_53, %reduce_max3A_54 [1] : vector<256x4096xf32> to vector<256xf32>
    %broadcast_in_dim3A_56 = vector.shape_cast %reduce_max3A_55 : vector<256xf32> to vector<256x1xf32>
    %eq3A_57 = vector.broadcast %broadcast_in_dim3A_56 : vector<256x1xf32> to vector<256x4096xf32>
    %eq3A_58 = arith.cmpf oeq, %select_n3A_53, %eq3A_57 : vector<256x4096xf32>
    %jit3A_59 = arith.constant 2.000000e+09 : f32
    %broadcast_in_dim3A_60 = vector.broadcast %jit3A_59 : f32 to vector<256x4096xf32>
    %select_n3A_61 = arith.select %eq3A_58, %select_n3A_35, %broadcast_in_dim3A_60 : vector<256x4096xi1>, vector<256x4096xf32>
    %reduce_min3A_62 = arith.constant dense<0x7F800000> : vector<256xf32>
    %reduce_min3A_63 = vector.multi_reduction <minimumf>, %select_n3A_61, %reduce_min3A_62 [1] : vector<256x4096xf32> to vector<256xf32>
    %broadcast_in_dim3A_64 = vector.shape_cast %reduce_min3A_63 : vector<256xf32> to vector<256x1xf32>
    %jit3A_65 = arith.constant -1.000000e+30 : f32
    %broadcast_in_dim3A_66 = vector.broadcast %jit3A_65 : f32 to vector<256x4096xf32>
    %select_n3A_67 = arith.select %eq3A_58, %min3A, %broadcast_in_dim3A_66 : vector<256x4096xi1>, vector<256x4096xf32>
    %reduce_max3A_68 = arith.constant dense<0xFF800000> : vector<256xf32>
    %reduce_max3A_69 = vector.multi_reduction <maximumf>, %select_n3A_67, %reduce_max3A_68 [1] : vector<256x4096xf32> to vector<256xf32>
    %broadcast_in_dim3A_70 = vector.shape_cast %reduce_max3A_69 : vector<256xf32> to vector<256x1xf32>
    %jit3A_71 = arith.constant -1.000000e+30 : f32
    %broadcast_in_dim3A_72 = vector.broadcast %jit3A_71 : f32 to vector<256x4096xf32>
    %select_n3A_73 = arith.select %eq3A_58, %broadcast_in_dim3A_72, %select_n3A_53 : vector<256x4096xi1>, vector<256x4096xf32>
    %reduce_max3A_74 = arith.constant dense<0xFF800000> : vector<256xf32>
    %reduce_max3A_75 = vector.multi_reduction <maximumf>, %select_n3A_73, %reduce_max3A_74 [1] : vector<256x4096xf32> to vector<256xf32>
    %broadcast_in_dim3A_76 = vector.shape_cast %reduce_max3A_75 : vector<256xf32> to vector<256x1xf32>
    %eq3A_77 = vector.broadcast %broadcast_in_dim3A_76 : vector<256x1xf32> to vector<256x4096xf32>
    %eq3A_78 = arith.cmpf oeq, %select_n3A_73, %eq3A_77 : vector<256x4096xf32>
    %jit3A_79 = arith.constant 2.000000e+09 : f32
    %broadcast_in_dim3A_80 = vector.broadcast %jit3A_79 : f32 to vector<256x4096xf32>
    %select_n3A_81 = arith.select %eq3A_78, %select_n3A_35, %broadcast_in_dim3A_80 : vector<256x4096xi1>, vector<256x4096xf32>
    %reduce_min3A_82 = arith.constant dense<0x7F800000> : vector<256xf32>
    %reduce_min3A_83 = vector.multi_reduction <minimumf>, %select_n3A_81, %reduce_min3A_82 [1] : vector<256x4096xf32> to vector<256xf32>
    %broadcast_in_dim3A_84 = vector.shape_cast %reduce_min3A_83 : vector<256xf32> to vector<256x1xf32>
    %jit3A_85 = arith.constant -1.000000e+30 : f32
    %broadcast_in_dim3A_86 = vector.broadcast %jit3A_85 : f32 to vector<256x4096xf32>
    %select_n3A_87 = arith.select %eq3A_78, %min3A, %broadcast_in_dim3A_86 : vector<256x4096xi1>, vector<256x4096xf32>
    %reduce_max3A_88 = arith.constant dense<0xFF800000> : vector<256xf32>
    %reduce_max3A_89 = vector.multi_reduction <maximumf>, %select_n3A_87, %reduce_max3A_88 [1] : vector<256x4096xf32> to vector<256xf32>
    %broadcast_in_dim3A_90 = vector.shape_cast %reduce_max3A_89 : vector<256xf32> to vector<256x1xf32>
    %jit3A_91 = arith.constant -1.000000e+30 : f32
    %broadcast_in_dim3A_92 = vector.broadcast %jit3A_91 : f32 to vector<256x4096xf32>
    %select_n3A_93 = arith.select %eq3A_78, %broadcast_in_dim3A_92, %select_n3A_73 : vector<256x4096xi1>, vector<256x4096xf32>
    %reduce_max3A_94 = arith.constant dense<0xFF800000> : vector<256xf32>
    %reduce_max3A_95 = vector.multi_reduction <maximumf>, %select_n3A_93, %reduce_max3A_94 [1] : vector<256x4096xf32> to vector<256xf32>
    %broadcast_in_dim3A_96 = vector.shape_cast %reduce_max3A_95 : vector<256xf32> to vector<256x1xf32>
    %eq3A_97 = vector.broadcast %broadcast_in_dim3A_96 : vector<256x1xf32> to vector<256x4096xf32>
    %eq3A_98 = arith.cmpf oeq, %select_n3A_93, %eq3A_97 : vector<256x4096xf32>
    %jit3A_99 = arith.constant 2.000000e+09 : f32
    %broadcast_in_dim3A_100 = vector.broadcast %jit3A_99 : f32 to vector<256x4096xf32>
    %select_n3A_101 = arith.select %eq3A_98, %select_n3A_35, %broadcast_in_dim3A_100 : vector<256x4096xi1>, vector<256x4096xf32>
    %reduce_min3A_102 = arith.constant dense<0x7F800000> : vector<256xf32>
    %reduce_min3A_103 = vector.multi_reduction <minimumf>, %select_n3A_101, %reduce_min3A_102 [1] : vector<256x4096xf32> to vector<256xf32>
    %broadcast_in_dim3A_104 = vector.shape_cast %reduce_min3A_103 : vector<256xf32> to vector<256x1xf32>
    %jit3A_105 = arith.constant -1.000000e+30 : f32
    %broadcast_in_dim3A_106 = vector.broadcast %jit3A_105 : f32 to vector<256x4096xf32>
    %select_n3A_107 = arith.select %eq3A_98, %min3A, %broadcast_in_dim3A_106 : vector<256x4096xi1>, vector<256x4096xf32>
    %reduce_max3A_108 = arith.constant dense<0xFF800000> : vector<256xf32>
    %reduce_max3A_109 = vector.multi_reduction <maximumf>, %select_n3A_107, %reduce_max3A_108 [1] : vector<256x4096xf32> to vector<256xf32>
    %broadcast_in_dim3A_110 = vector.shape_cast %reduce_max3A_109 : vector<256xf32> to vector<256x1xf32>
    %jit3A_111 = arith.constant -1.000000e+30 : f32
    %broadcast_in_dim3A_112 = vector.broadcast %jit3A_111 : f32 to vector<256x4096xf32>
    %select_n3A_113 = arith.select %eq3A_98, %broadcast_in_dim3A_112, %select_n3A_93 : vector<256x4096xi1>, vector<256x4096xf32>
    %reduce_max3A_114 = arith.constant dense<0xFF800000> : vector<256xf32>
    %reduce_max3A_115 = vector.multi_reduction <maximumf>, %select_n3A_113, %reduce_max3A_114 [1] : vector<256x4096xf32> to vector<256xf32>
    %broadcast_in_dim3A_116 = vector.shape_cast %reduce_max3A_115 : vector<256xf32> to vector<256x1xf32>
    %eq3A_117 = vector.broadcast %broadcast_in_dim3A_116 : vector<256x1xf32> to vector<256x4096xf32>
    %eq3A_118 = arith.cmpf oeq, %select_n3A_113, %eq3A_117 : vector<256x4096xf32>
    %jit3A_119 = arith.constant 2.000000e+09 : f32
    %broadcast_in_dim3A_120 = vector.broadcast %jit3A_119 : f32 to vector<256x4096xf32>
    %select_n3A_121 = arith.select %eq3A_118, %select_n3A_35, %broadcast_in_dim3A_120 : vector<256x4096xi1>, vector<256x4096xf32>
    %reduce_min3A_122 = arith.constant dense<0x7F800000> : vector<256xf32>
    %reduce_min3A_123 = vector.multi_reduction <minimumf>, %select_n3A_121, %reduce_min3A_122 [1] : vector<256x4096xf32> to vector<256xf32>
    %broadcast_in_dim3A_124 = vector.shape_cast %reduce_min3A_123 : vector<256xf32> to vector<256x1xf32>
    %jit3A_125 = arith.constant -1.000000e+30 : f32
    %broadcast_in_dim3A_126 = vector.broadcast %jit3A_125 : f32 to vector<256x4096xf32>
    %select_n3A_127 = arith.select %eq3A_118, %min3A, %broadcast_in_dim3A_126 : vector<256x4096xi1>, vector<256x4096xf32>
    %reduce_max3A_128 = arith.constant dense<0xFF800000> : vector<256xf32>
    %reduce_max3A_129 = vector.multi_reduction <maximumf>, %select_n3A_127, %reduce_max3A_128 [1] : vector<256x4096xf32> to vector<256xf32>
    %broadcast_in_dim3A_130 = vector.shape_cast %reduce_max3A_129 : vector<256xf32> to vector<256x1xf32>
    %jit3A_131 = arith.constant -1.000000e+30 : f32
    %broadcast_in_dim3A_132 = vector.broadcast %jit3A_131 : f32 to vector<256x4096xf32>
    %select_n3A_133 = arith.select %eq3A_118, %broadcast_in_dim3A_132, %select_n3A_113 : vector<256x4096xi1>, vector<256x4096xf32>
    %reduce_max3A_134 = arith.constant dense<0xFF800000> : vector<256xf32>
    %reduce_max3A_135 = vector.multi_reduction <maximumf>, %select_n3A_133, %reduce_max3A_134 [1] : vector<256x4096xf32> to vector<256xf32>
    %broadcast_in_dim3A_136 = vector.shape_cast %reduce_max3A_135 : vector<256xf32> to vector<256x1xf32>
    %eq3A_137 = vector.broadcast %broadcast_in_dim3A_136 : vector<256x1xf32> to vector<256x4096xf32>
    %eq3A_138 = arith.cmpf oeq, %select_n3A_133, %eq3A_137 : vector<256x4096xf32>
    %jit3A_139 = arith.constant 2.000000e+09 : f32
    %broadcast_in_dim3A_140 = vector.broadcast %jit3A_139 : f32 to vector<256x4096xf32>
    %select_n3A_141 = arith.select %eq3A_138, %select_n3A_35, %broadcast_in_dim3A_140 : vector<256x4096xi1>, vector<256x4096xf32>
    %reduce_min3A_142 = arith.constant dense<0x7F800000> : vector<256xf32>
    %reduce_min3A_143 = vector.multi_reduction <minimumf>, %select_n3A_141, %reduce_min3A_142 [1] : vector<256x4096xf32> to vector<256xf32>
    %broadcast_in_dim3A_144 = vector.shape_cast %reduce_min3A_143 : vector<256xf32> to vector<256x1xf32>
    %jit3A_145 = arith.constant -1.000000e+30 : f32
    %broadcast_in_dim3A_146 = vector.broadcast %jit3A_145 : f32 to vector<256x4096xf32>
    %select_n3A_147 = arith.select %eq3A_138, %min3A, %broadcast_in_dim3A_146 : vector<256x4096xi1>, vector<256x4096xf32>
    %reduce_max3A_148 = arith.constant dense<0xFF800000> : vector<256xf32>
    %reduce_max3A_149 = vector.multi_reduction <maximumf>, %select_n3A_147, %reduce_max3A_148 [1] : vector<256x4096xf32> to vector<256xf32>
    %broadcast_in_dim3A_150 = vector.shape_cast %reduce_max3A_149 : vector<256xf32> to vector<256x1xf32>
    %jit3A_151 = arith.constant -1.000000e+30 : f32
    %broadcast_in_dim3A_152 = vector.broadcast %jit3A_151 : f32 to vector<256x4096xf32>
    %select_n3A_153 = arith.select %eq3A_138, %broadcast_in_dim3A_152, %select_n3A_133 : vector<256x4096xi1>, vector<256x4096xf32>
    %reduce_max3A_154 = arith.constant dense<0xFF800000> : vector<256xf32>
    %reduce_max3A_155 = vector.multi_reduction <maximumf>, %select_n3A_153, %reduce_max3A_154 [1] : vector<256x4096xf32> to vector<256xf32>
    %broadcast_in_dim3A_156 = vector.shape_cast %reduce_max3A_155 : vector<256xf32> to vector<256x1xf32>
    %eq3A_157 = vector.broadcast %broadcast_in_dim3A_156 : vector<256x1xf32> to vector<256x4096xf32>
    %eq3A_158 = arith.cmpf oeq, %select_n3A_153, %eq3A_157 : vector<256x4096xf32>
    %jit3A_159 = arith.constant 2.000000e+09 : f32
    %broadcast_in_dim3A_160 = vector.broadcast %jit3A_159 : f32 to vector<256x4096xf32>
    %select_n3A_161 = arith.select %eq3A_158, %select_n3A_35, %broadcast_in_dim3A_160 : vector<256x4096xi1>, vector<256x4096xf32>
    %reduce_min3A_162 = arith.constant dense<0x7F800000> : vector<256xf32>
    %reduce_min3A_163 = vector.multi_reduction <minimumf>, %select_n3A_161, %reduce_min3A_162 [1] : vector<256x4096xf32> to vector<256xf32>
    %broadcast_in_dim3A_164 = vector.shape_cast %reduce_min3A_163 : vector<256xf32> to vector<256x1xf32>
    %jit3A_165 = arith.constant -1.000000e+30 : f32
    %broadcast_in_dim3A_166 = vector.broadcast %jit3A_165 : f32 to vector<256x4096xf32>
    %select_n3A_167 = arith.select %eq3A_158, %min3A, %broadcast_in_dim3A_166 : vector<256x4096xi1>, vector<256x4096xf32>
    %reduce_max3A_168 = arith.constant dense<0xFF800000> : vector<256xf32>
    %reduce_max3A_169 = vector.multi_reduction <maximumf>, %select_n3A_167, %reduce_max3A_168 [1] : vector<256x4096xf32> to vector<256xf32>
    %broadcast_in_dim3A_170 = vector.shape_cast %reduce_max3A_169 : vector<256xf32> to vector<256x1xf32>
    %jit3A_171 = arith.constant -1.000000e+30 : f32
    %broadcast_in_dim3A_172 = vector.broadcast %jit3A_171 : f32 to vector<256x4096xf32>
    %select_n3A_173 = arith.select %eq3A_158, %broadcast_in_dim3A_172, %select_n3A_153 : vector<256x4096xi1>, vector<256x4096xf32>
    %reduce_max3A_174 = arith.constant dense<0xFF800000> : vector<256xf32>
    %reduce_max3A_175 = vector.multi_reduction <maximumf>, %select_n3A_173, %reduce_max3A_174 [1] : vector<256x4096xf32> to vector<256xf32>
    %broadcast_in_dim3A_176 = vector.shape_cast %reduce_max3A_175 : vector<256xf32> to vector<256x1xf32>
    %eq3A_177 = vector.broadcast %broadcast_in_dim3A_176 : vector<256x1xf32> to vector<256x4096xf32>
    %eq3A_178 = arith.cmpf oeq, %select_n3A_173, %eq3A_177 : vector<256x4096xf32>
    %jit3A_179 = arith.constant 2.000000e+09 : f32
    %broadcast_in_dim3A_180 = vector.broadcast %jit3A_179 : f32 to vector<256x4096xf32>
    %select_n3A_181 = arith.select %eq3A_178, %select_n3A_35, %broadcast_in_dim3A_180 : vector<256x4096xi1>, vector<256x4096xf32>
    %reduce_min3A_182 = arith.constant dense<0x7F800000> : vector<256xf32>
    %reduce_min3A_183 = vector.multi_reduction <minimumf>, %select_n3A_181, %reduce_min3A_182 [1] : vector<256x4096xf32> to vector<256xf32>
    %broadcast_in_dim3A_184 = vector.shape_cast %reduce_min3A_183 : vector<256xf32> to vector<256x1xf32>
    %jit3A_185 = arith.constant -1.000000e+30 : f32
    %broadcast_in_dim3A_186 = vector.broadcast %jit3A_185 : f32 to vector<256x4096xf32>
    %select_n3A_187 = arith.select %eq3A_178, %min3A, %broadcast_in_dim3A_186 : vector<256x4096xi1>, vector<256x4096xf32>
    %reduce_max3A_188 = arith.constant dense<0xFF800000> : vector<256xf32>
    %reduce_max3A_189 = vector.multi_reduction <maximumf>, %select_n3A_187, %reduce_max3A_188 [1] : vector<256x4096xf32> to vector<256xf32>
    %broadcast_in_dim3A_190 = vector.shape_cast %reduce_max3A_189 : vector<256xf32> to vector<256x1xf32>
    %concatenate3A = tpu.concatenate %broadcast_in_dim3A_44, %broadcast_in_dim3A_64, %broadcast_in_dim3A_84, %broadcast_in_dim3A_104, %broadcast_in_dim3A_124, %broadcast_in_dim3A_144, %broadcast_in_dim3A_164, %broadcast_in_dim3A_184 in 1 : vector<256x1xf32>, vector<256x1xf32>, vector<256x1xf32>, vector<256x1xf32>, vector<256x1xf32>, vector<256x1xf32>, vector<256x1xf32>, vector<256x1xf32> -> vector<256x8xf32>
    %lt3A = arith.constant 4.096000e+03 : f32
    %lt3A_191 = vector.broadcast %lt3A : f32 to vector<256x8xf32>
    %lt3A_192 = arith.cmpf olt, %concatenate3A, %lt3A_191 : vector<256x8xf32>
    %add3A_193 = arith.constant 4.096000e+03 : f32
    %add3A_194 = vector.broadcast %add3A_193 : f32 to vector<256x8xf32>
    %add3A_195 = arith.addf %concatenate3A, %add3A_194 : vector<256x8xf32>
    %sub3A = arith.constant 4.096000e+03 : f32
    %sub3A_196 = vector.broadcast %sub3A : f32 to vector<256x8xf32>
    %sub3A_197 = arith.subf %concatenate3A, %sub3A_196 : vector<256x8xf32>
    %select_n3A_198 = arith.select %lt3A_192, %add3A_195, %sub3A_197 : vector<256x8xi1>, vector<256x8xf32>
    %concatenate3A_199 = tpu.concatenate %broadcast_in_dim3A_37, %broadcast_in_dim3A_56, %broadcast_in_dim3A_76, %broadcast_in_dim3A_96, %broadcast_in_dim3A_116, %broadcast_in_dim3A_136, %broadcast_in_dim3A_156, %broadcast_in_dim3A_176, %broadcast_in_dim3A_50, %broadcast_in_dim3A_70, %broadcast_in_dim3A_90, %broadcast_in_dim3A_110, %broadcast_in_dim3A_130, %broadcast_in_dim3A_150, %broadcast_in_dim3A_170, %broadcast_in_dim3A_190 in 1 : vector<256x1xf32>, vector<256x1xf32>, vector<256x1xf32>, vector<256x1xf32>, vector<256x1xf32>, vector<256x1xf32>, vector<256x1xf32>, vector<256x1xf32>, vector<256x1xf32>, vector<256x1xf32>, vector<256x1xf32>, vector<256x1xf32>, vector<256x1xf32>, vector<256x1xf32>, vector<256x1xf32>, vector<256x1xf32> -> vector<256x16xf32>
    %concatenate3A_200 = tpu.concatenate %concatenate3A, %select_n3A_198 in 1 : vector<256x8xf32>, vector<256x8xf32> -> vector<256x16xf32>
    %iota3A_201 = tpu.iota {dimensions = array<i32: 1>} : vector<1x16xi32>
    %convert_element_type3A_202 = arith.sitofp %iota3A_201 : vector<1x16xi32> to vector<1x16xf32>
    %reduce_max3A_203 = arith.constant dense<0xFF800000> : vector<256xf32>
    %reduce_max3A_204 = vector.multi_reduction <maximumf>, %concatenate3A_199, %reduce_max3A_203 [1] : vector<256x16xf32> to vector<256xf32>
    %broadcast_in_dim3A_205 = vector.shape_cast %reduce_max3A_204 : vector<256xf32> to vector<256x1xf32>
    %eq3A_206 = vector.broadcast %broadcast_in_dim3A_205 : vector<256x1xf32> to vector<256x16xf32>
    %eq3A_207 = arith.cmpf oeq, %concatenate3A_199, %eq3A_206 : vector<256x16xf32>
    %jit3A_208 = arith.constant 2.000000e+09 : f32
    %broadcast_in_dim3A_209 = vector.shape_cast %convert_element_type3A_202 : vector<1x16xf32> to vector<1x16xf32>
    %broadcast_in_dim3A_210 = vector.broadcast %broadcast_in_dim3A_209 : vector<1x16xf32> to vector<256x16xf32>
    %broadcast_in_dim3A_211 = vector.broadcast %jit3A_208 : f32 to vector<256x16xf32>
    %select_n3A_212 = arith.select %eq3A_207, %broadcast_in_dim3A_210, %broadcast_in_dim3A_211 : vector<256x16xi1>, vector<256x16xf32>
    %reduce_min3A_213 = arith.constant dense<0x7F800000> : vector<256xf32>
    %reduce_min3A_214 = vector.multi_reduction <minimumf>, %select_n3A_212, %reduce_min3A_213 [1] : vector<256x16xf32> to vector<256xf32>
    %broadcast_in_dim3A_215 = vector.shape_cast %reduce_min3A_214 : vector<256xf32> to vector<256x1xf32>
    %eq3A_216 = vector.broadcast %convert_element_type3A_202 : vector<1x16xf32> to vector<256x16xf32>
    %eq3A_217 = vector.broadcast %broadcast_in_dim3A_215 : vector<256x1xf32> to vector<256x16xf32>
    %eq3A_218 = arith.cmpf oeq, %eq3A_216, %eq3A_217 : vector<256x16xf32>
    %jit3A_219 = arith.constant 0.000000e+00 : f32
    %broadcast_in_dim3A_220 = vector.broadcast %jit3A_219 : f32 to vector<256x16xf32>
    %select_n3A_221 = arith.select %eq3A_218, %concatenate3A_200, %broadcast_in_dim3A_220 : vector<256x16xi1>, vector<256x16xf32>
    %reduce_sum3A = arith.constant dense<0.000000e+00> : vector<256xf32>
    %reduce_sum3A_222 = vector.multi_reduction <add>, %select_n3A_221, %reduce_sum3A [1] : vector<256x16xf32> to vector<256xf32>
    %broadcast_in_dim3A_223 = vector.shape_cast %reduce_sum3A_222 : vector<256xf32> to vector<256x1xf32>
    %jit3A_224 = arith.constant -1.000000e+30 : f32
    %broadcast_in_dim3A_225 = vector.broadcast %jit3A_224 : f32 to vector<256x16xf32>
    %select_n3A_226 = arith.select %eq3A_218, %broadcast_in_dim3A_225, %concatenate3A_199 : vector<256x16xi1>, vector<256x16xf32>
    %reduce_max3A_227 = arith.constant dense<0xFF800000> : vector<256xf32>
    %reduce_max3A_228 = vector.multi_reduction <maximumf>, %select_n3A_226, %reduce_max3A_227 [1] : vector<256x16xf32> to vector<256xf32>
    %broadcast_in_dim3A_229 = vector.shape_cast %reduce_max3A_228 : vector<256xf32> to vector<256x1xf32>
    %eq3A_230 = vector.broadcast %broadcast_in_dim3A_229 : vector<256x1xf32> to vector<256x16xf32>
    %eq3A_231 = arith.cmpf oeq, %select_n3A_226, %eq3A_230 : vector<256x16xf32>
    %jit3A_232 = arith.constant 2.000000e+09 : f32
    %broadcast_in_dim3A_233 = vector.shape_cast %convert_element_type3A_202 : vector<1x16xf32> to vector<1x16xf32>
    %broadcast_in_dim3A_234 = vector.broadcast %broadcast_in_dim3A_233 : vector<1x16xf32> to vector<256x16xf32>
    %broadcast_in_dim3A_235 = vector.broadcast %jit3A_232 : f32 to vector<256x16xf32>
    %select_n3A_236 = arith.select %eq3A_231, %broadcast_in_dim3A_234, %broadcast_in_dim3A_235 : vector<256x16xi1>, vector<256x16xf32>
    %reduce_min3A_237 = arith.constant dense<0x7F800000> : vector<256xf32>
    %reduce_min3A_238 = vector.multi_reduction <minimumf>, %select_n3A_236, %reduce_min3A_237 [1] : vector<256x16xf32> to vector<256xf32>
    %broadcast_in_dim3A_239 = vector.shape_cast %reduce_min3A_238 : vector<256xf32> to vector<256x1xf32>
    %eq3A_240 = vector.broadcast %convert_element_type3A_202 : vector<1x16xf32> to vector<256x16xf32>
    %eq3A_241 = vector.broadcast %broadcast_in_dim3A_239 : vector<256x1xf32> to vector<256x16xf32>
    %eq3A_242 = arith.cmpf oeq, %eq3A_240, %eq3A_241 : vector<256x16xf32>
    %jit3A_243 = arith.constant 0.000000e+00 : f32
    %broadcast_in_dim3A_244 = vector.broadcast %jit3A_243 : f32 to vector<256x16xf32>
    %select_n3A_245 = arith.select %eq3A_242, %concatenate3A_200, %broadcast_in_dim3A_244 : vector<256x16xi1>, vector<256x16xf32>
    %reduce_sum3A_246 = arith.constant dense<0.000000e+00> : vector<256xf32>
    %reduce_sum3A_247 = vector.multi_reduction <add>, %select_n3A_245, %reduce_sum3A_246 [1] : vector<256x16xf32> to vector<256xf32>
    %broadcast_in_dim3A_248 = vector.shape_cast %reduce_sum3A_247 : vector<256xf32> to vector<256x1xf32>
    %jit3A_249 = arith.constant -1.000000e+30 : f32
    %broadcast_in_dim3A_250 = vector.broadcast %jit3A_249 : f32 to vector<256x16xf32>
    %select_n3A_251 = arith.select %eq3A_242, %broadcast_in_dim3A_250, %select_n3A_226 : vector<256x16xi1>, vector<256x16xf32>
    %reduce_max3A_252 = arith.constant dense<0xFF800000> : vector<256xf32>
    %reduce_max3A_253 = vector.multi_reduction <maximumf>, %select_n3A_251, %reduce_max3A_252 [1] : vector<256x16xf32> to vector<256xf32>
    %broadcast_in_dim3A_254 = vector.shape_cast %reduce_max3A_253 : vector<256xf32> to vector<256x1xf32>
    %eq3A_255 = vector.broadcast %broadcast_in_dim3A_254 : vector<256x1xf32> to vector<256x16xf32>
    %eq3A_256 = arith.cmpf oeq, %select_n3A_251, %eq3A_255 : vector<256x16xf32>
    %jit3A_257 = arith.constant 2.000000e+09 : f32
    %broadcast_in_dim3A_258 = vector.shape_cast %convert_element_type3A_202 : vector<1x16xf32> to vector<1x16xf32>
    %broadcast_in_dim3A_259 = vector.broadcast %broadcast_in_dim3A_258 : vector<1x16xf32> to vector<256x16xf32>
    %broadcast_in_dim3A_260 = vector.broadcast %jit3A_257 : f32 to vector<256x16xf32>
    %select_n3A_261 = arith.select %eq3A_256, %broadcast_in_dim3A_259, %broadcast_in_dim3A_260 : vector<256x16xi1>, vector<256x16xf32>
    %reduce_min3A_262 = arith.constant dense<0x7F800000> : vector<256xf32>
    %reduce_min3A_263 = vector.multi_reduction <minimumf>, %select_n3A_261, %reduce_min3A_262 [1] : vector<256x16xf32> to vector<256xf32>
    %broadcast_in_dim3A_264 = vector.shape_cast %reduce_min3A_263 : vector<256xf32> to vector<256x1xf32>
    %eq3A_265 = vector.broadcast %convert_element_type3A_202 : vector<1x16xf32> to vector<256x16xf32>
    %eq3A_266 = vector.broadcast %broadcast_in_dim3A_264 : vector<256x1xf32> to vector<256x16xf32>
    %eq3A_267 = arith.cmpf oeq, %eq3A_265, %eq3A_266 : vector<256x16xf32>
    %jit3A_268 = arith.constant 0.000000e+00 : f32
    %broadcast_in_dim3A_269 = vector.broadcast %jit3A_268 : f32 to vector<256x16xf32>
    %select_n3A_270 = arith.select %eq3A_267, %concatenate3A_200, %broadcast_in_dim3A_269 : vector<256x16xi1>, vector<256x16xf32>
    %reduce_sum3A_271 = arith.constant dense<0.000000e+00> : vector<256xf32>
    %reduce_sum3A_272 = vector.multi_reduction <add>, %select_n3A_270, %reduce_sum3A_271 [1] : vector<256x16xf32> to vector<256xf32>
    %broadcast_in_dim3A_273 = vector.shape_cast %reduce_sum3A_272 : vector<256xf32> to vector<256x1xf32>
    %jit3A_274 = arith.constant -1.000000e+30 : f32
    %broadcast_in_dim3A_275 = vector.broadcast %jit3A_274 : f32 to vector<256x16xf32>
    %select_n3A_276 = arith.select %eq3A_267, %broadcast_in_dim3A_275, %select_n3A_251 : vector<256x16xi1>, vector<256x16xf32>
    %reduce_max3A_277 = arith.constant dense<0xFF800000> : vector<256xf32>
    %reduce_max3A_278 = vector.multi_reduction <maximumf>, %select_n3A_276, %reduce_max3A_277 [1] : vector<256x16xf32> to vector<256xf32>
    %broadcast_in_dim3A_279 = vector.shape_cast %reduce_max3A_278 : vector<256xf32> to vector<256x1xf32>
    %eq3A_280 = vector.broadcast %broadcast_in_dim3A_279 : vector<256x1xf32> to vector<256x16xf32>
    %eq3A_281 = arith.cmpf oeq, %select_n3A_276, %eq3A_280 : vector<256x16xf32>
    %jit3A_282 = arith.constant 2.000000e+09 : f32
    %broadcast_in_dim3A_283 = vector.shape_cast %convert_element_type3A_202 : vector<1x16xf32> to vector<1x16xf32>
    %broadcast_in_dim3A_284 = vector.broadcast %broadcast_in_dim3A_283 : vector<1x16xf32> to vector<256x16xf32>
    %broadcast_in_dim3A_285 = vector.broadcast %jit3A_282 : f32 to vector<256x16xf32>
    %select_n3A_286 = arith.select %eq3A_281, %broadcast_in_dim3A_284, %broadcast_in_dim3A_285 : vector<256x16xi1>, vector<256x16xf32>
    %reduce_min3A_287 = arith.constant dense<0x7F800000> : vector<256xf32>
    %reduce_min3A_288 = vector.multi_reduction <minimumf>, %select_n3A_286, %reduce_min3A_287 [1] : vector<256x16xf32> to vector<256xf32>
    %broadcast_in_dim3A_289 = vector.shape_cast %reduce_min3A_288 : vector<256xf32> to vector<256x1xf32>
    %eq3A_290 = vector.broadcast %convert_element_type3A_202 : vector<1x16xf32> to vector<256x16xf32>
    %eq3A_291 = vector.broadcast %broadcast_in_dim3A_289 : vector<256x1xf32> to vector<256x16xf32>
    %eq3A_292 = arith.cmpf oeq, %eq3A_290, %eq3A_291 : vector<256x16xf32>
    %jit3A_293 = arith.constant 0.000000e+00 : f32
    %broadcast_in_dim3A_294 = vector.broadcast %jit3A_293 : f32 to vector<256x16xf32>
    %select_n3A_295 = arith.select %eq3A_292, %concatenate3A_200, %broadcast_in_dim3A_294 : vector<256x16xi1>, vector<256x16xf32>
    %reduce_sum3A_296 = arith.constant dense<0.000000e+00> : vector<256xf32>
    %reduce_sum3A_297 = vector.multi_reduction <add>, %select_n3A_295, %reduce_sum3A_296 [1] : vector<256x16xf32> to vector<256xf32>
    %broadcast_in_dim3A_298 = vector.shape_cast %reduce_sum3A_297 : vector<256xf32> to vector<256x1xf32>
    %jit3A_299 = arith.constant -1.000000e+30 : f32
    %broadcast_in_dim3A_300 = vector.broadcast %jit3A_299 : f32 to vector<256x16xf32>
    %select_n3A_301 = arith.select %eq3A_292, %broadcast_in_dim3A_300, %select_n3A_276 : vector<256x16xi1>, vector<256x16xf32>
    %reduce_max3A_302 = arith.constant dense<0xFF800000> : vector<256xf32>
    %reduce_max3A_303 = vector.multi_reduction <maximumf>, %select_n3A_301, %reduce_max3A_302 [1] : vector<256x16xf32> to vector<256xf32>
    %broadcast_in_dim3A_304 = vector.shape_cast %reduce_max3A_303 : vector<256xf32> to vector<256x1xf32>
    %eq3A_305 = vector.broadcast %broadcast_in_dim3A_304 : vector<256x1xf32> to vector<256x16xf32>
    %eq3A_306 = arith.cmpf oeq, %select_n3A_301, %eq3A_305 : vector<256x16xf32>
    %jit3A_307 = arith.constant 2.000000e+09 : f32
    %broadcast_in_dim3A_308 = vector.shape_cast %convert_element_type3A_202 : vector<1x16xf32> to vector<1x16xf32>
    %broadcast_in_dim3A_309 = vector.broadcast %broadcast_in_dim3A_308 : vector<1x16xf32> to vector<256x16xf32>
    %broadcast_in_dim3A_310 = vector.broadcast %jit3A_307 : f32 to vector<256x16xf32>
    %select_n3A_311 = arith.select %eq3A_306, %broadcast_in_dim3A_309, %broadcast_in_dim3A_310 : vector<256x16xi1>, vector<256x16xf32>
    %reduce_min3A_312 = arith.constant dense<0x7F800000> : vector<256xf32>
    %reduce_min3A_313 = vector.multi_reduction <minimumf>, %select_n3A_311, %reduce_min3A_312 [1] : vector<256x16xf32> to vector<256xf32>
    %broadcast_in_dim3A_314 = vector.shape_cast %reduce_min3A_313 : vector<256xf32> to vector<256x1xf32>
    %eq3A_315 = vector.broadcast %convert_element_type3A_202 : vector<1x16xf32> to vector<256x16xf32>
    %eq3A_316 = vector.broadcast %broadcast_in_dim3A_314 : vector<256x1xf32> to vector<256x16xf32>
    %eq3A_317 = arith.cmpf oeq, %eq3A_315, %eq3A_316 : vector<256x16xf32>
    %jit3A_318 = arith.constant 0.000000e+00 : f32
    %broadcast_in_dim3A_319 = vector.broadcast %jit3A_318 : f32 to vector<256x16xf32>
    %select_n3A_320 = arith.select %eq3A_317, %concatenate3A_200, %broadcast_in_dim3A_319 : vector<256x16xi1>, vector<256x16xf32>
    %reduce_sum3A_321 = arith.constant dense<0.000000e+00> : vector<256xf32>
    %reduce_sum3A_322 = vector.multi_reduction <add>, %select_n3A_320, %reduce_sum3A_321 [1] : vector<256x16xf32> to vector<256xf32>
    %broadcast_in_dim3A_323 = vector.shape_cast %reduce_sum3A_322 : vector<256xf32> to vector<256x1xf32>
    %jit3A_324 = arith.constant -1.000000e+30 : f32
    %broadcast_in_dim3A_325 = vector.broadcast %jit3A_324 : f32 to vector<256x16xf32>
    %select_n3A_326 = arith.select %eq3A_317, %broadcast_in_dim3A_325, %select_n3A_301 : vector<256x16xi1>, vector<256x16xf32>
    %reduce_max3A_327 = arith.constant dense<0xFF800000> : vector<256xf32>
    %reduce_max3A_328 = vector.multi_reduction <maximumf>, %select_n3A_326, %reduce_max3A_327 [1] : vector<256x16xf32> to vector<256xf32>
    %broadcast_in_dim3A_329 = vector.shape_cast %reduce_max3A_328 : vector<256xf32> to vector<256x1xf32>
    %eq3A_330 = vector.broadcast %broadcast_in_dim3A_329 : vector<256x1xf32> to vector<256x16xf32>
    %eq3A_331 = arith.cmpf oeq, %select_n3A_326, %eq3A_330 : vector<256x16xf32>
    %jit3A_332 = arith.constant 2.000000e+09 : f32
    %broadcast_in_dim3A_333 = vector.shape_cast %convert_element_type3A_202 : vector<1x16xf32> to vector<1x16xf32>
    %broadcast_in_dim3A_334 = vector.broadcast %broadcast_in_dim3A_333 : vector<1x16xf32> to vector<256x16xf32>
    %broadcast_in_dim3A_335 = vector.broadcast %jit3A_332 : f32 to vector<256x16xf32>
    %select_n3A_336 = arith.select %eq3A_331, %broadcast_in_dim3A_334, %broadcast_in_dim3A_335 : vector<256x16xi1>, vector<256x16xf32>
    %reduce_min3A_337 = arith.constant dense<0x7F800000> : vector<256xf32>
    %reduce_min3A_338 = vector.multi_reduction <minimumf>, %select_n3A_336, %reduce_min3A_337 [1] : vector<256x16xf32> to vector<256xf32>
    %broadcast_in_dim3A_339 = vector.shape_cast %reduce_min3A_338 : vector<256xf32> to vector<256x1xf32>
    %eq3A_340 = vector.broadcast %convert_element_type3A_202 : vector<1x16xf32> to vector<256x16xf32>
    %eq3A_341 = vector.broadcast %broadcast_in_dim3A_339 : vector<256x1xf32> to vector<256x16xf32>
    %eq3A_342 = arith.cmpf oeq, %eq3A_340, %eq3A_341 : vector<256x16xf32>
    %jit3A_343 = arith.constant 0.000000e+00 : f32
    %broadcast_in_dim3A_344 = vector.broadcast %jit3A_343 : f32 to vector<256x16xf32>
    %select_n3A_345 = arith.select %eq3A_342, %concatenate3A_200, %broadcast_in_dim3A_344 : vector<256x16xi1>, vector<256x16xf32>
    %reduce_sum3A_346 = arith.constant dense<0.000000e+00> : vector<256xf32>
    %reduce_sum3A_347 = vector.multi_reduction <add>, %select_n3A_345, %reduce_sum3A_346 [1] : vector<256x16xf32> to vector<256xf32>
    %broadcast_in_dim3A_348 = vector.shape_cast %reduce_sum3A_347 : vector<256xf32> to vector<256x1xf32>
    %jit3A_349 = arith.constant -1.000000e+30 : f32
    %broadcast_in_dim3A_350 = vector.broadcast %jit3A_349 : f32 to vector<256x16xf32>
    %select_n3A_351 = arith.select %eq3A_342, %broadcast_in_dim3A_350, %select_n3A_326 : vector<256x16xi1>, vector<256x16xf32>
    %reduce_max3A_352 = arith.constant dense<0xFF800000> : vector<256xf32>
    %reduce_max3A_353 = vector.multi_reduction <maximumf>, %select_n3A_351, %reduce_max3A_352 [1] : vector<256x16xf32> to vector<256xf32>
    %broadcast_in_dim3A_354 = vector.shape_cast %reduce_max3A_353 : vector<256xf32> to vector<256x1xf32>
    %eq3A_355 = vector.broadcast %broadcast_in_dim3A_354 : vector<256x1xf32> to vector<256x16xf32>
    %eq3A_356 = arith.cmpf oeq, %select_n3A_351, %eq3A_355 : vector<256x16xf32>
    %jit3A_357 = arith.constant 2.000000e+09 : f32
    %broadcast_in_dim3A_358 = vector.shape_cast %convert_element_type3A_202 : vector<1x16xf32> to vector<1x16xf32>
    %broadcast_in_dim3A_359 = vector.broadcast %broadcast_in_dim3A_358 : vector<1x16xf32> to vector<256x16xf32>
    %broadcast_in_dim3A_360 = vector.broadcast %jit3A_357 : f32 to vector<256x16xf32>
    %select_n3A_361 = arith.select %eq3A_356, %broadcast_in_dim3A_359, %broadcast_in_dim3A_360 : vector<256x16xi1>, vector<256x16xf32>
    %reduce_min3A_362 = arith.constant dense<0x7F800000> : vector<256xf32>
    %reduce_min3A_363 = vector.multi_reduction <minimumf>, %select_n3A_361, %reduce_min3A_362 [1] : vector<256x16xf32> to vector<256xf32>
    %broadcast_in_dim3A_364 = vector.shape_cast %reduce_min3A_363 : vector<256xf32> to vector<256x1xf32>
    %eq3A_365 = vector.broadcast %convert_element_type3A_202 : vector<1x16xf32> to vector<256x16xf32>
    %eq3A_366 = vector.broadcast %broadcast_in_dim3A_364 : vector<256x1xf32> to vector<256x16xf32>
    %eq3A_367 = arith.cmpf oeq, %eq3A_365, %eq3A_366 : vector<256x16xf32>
    %jit3A_368 = arith.constant 0.000000e+00 : f32
    %broadcast_in_dim3A_369 = vector.broadcast %jit3A_368 : f32 to vector<256x16xf32>
    %select_n3A_370 = arith.select %eq3A_367, %concatenate3A_200, %broadcast_in_dim3A_369 : vector<256x16xi1>, vector<256x16xf32>
    %reduce_sum3A_371 = arith.constant dense<0.000000e+00> : vector<256xf32>
    %reduce_sum3A_372 = vector.multi_reduction <add>, %select_n3A_370, %reduce_sum3A_371 [1] : vector<256x16xf32> to vector<256xf32>
    %broadcast_in_dim3A_373 = vector.shape_cast %reduce_sum3A_372 : vector<256xf32> to vector<256x1xf32>
    %jit3A_374 = arith.constant -1.000000e+30 : f32
    %broadcast_in_dim3A_375 = vector.broadcast %jit3A_374 : f32 to vector<256x16xf32>
    %select_n3A_376 = arith.select %eq3A_367, %broadcast_in_dim3A_375, %select_n3A_351 : vector<256x16xi1>, vector<256x16xf32>
    %reduce_max3A_377 = arith.constant dense<0xFF800000> : vector<256xf32>
    %reduce_max3A_378 = vector.multi_reduction <maximumf>, %select_n3A_376, %reduce_max3A_377 [1] : vector<256x16xf32> to vector<256xf32>
    %broadcast_in_dim3A_379 = vector.shape_cast %reduce_max3A_378 : vector<256xf32> to vector<256x1xf32>
    %eq3A_380 = vector.broadcast %broadcast_in_dim3A_379 : vector<256x1xf32> to vector<256x16xf32>
    %eq3A_381 = arith.cmpf oeq, %select_n3A_376, %eq3A_380 : vector<256x16xf32>
    %jit3A_382 = arith.constant 2.000000e+09 : f32
    %broadcast_in_dim3A_383 = vector.shape_cast %convert_element_type3A_202 : vector<1x16xf32> to vector<1x16xf32>
    %broadcast_in_dim3A_384 = vector.broadcast %broadcast_in_dim3A_383 : vector<1x16xf32> to vector<256x16xf32>
    %broadcast_in_dim3A_385 = vector.broadcast %jit3A_382 : f32 to vector<256x16xf32>
    %select_n3A_386 = arith.select %eq3A_381, %broadcast_in_dim3A_384, %broadcast_in_dim3A_385 : vector<256x16xi1>, vector<256x16xf32>
    %reduce_min3A_387 = arith.constant dense<0x7F800000> : vector<256xf32>
    %reduce_min3A_388 = vector.multi_reduction <minimumf>, %select_n3A_386, %reduce_min3A_387 [1] : vector<256x16xf32> to vector<256xf32>
    %broadcast_in_dim3A_389 = vector.shape_cast %reduce_min3A_388 : vector<256xf32> to vector<256x1xf32>
    %eq3A_390 = vector.broadcast %convert_element_type3A_202 : vector<1x16xf32> to vector<256x16xf32>
    %eq3A_391 = vector.broadcast %broadcast_in_dim3A_389 : vector<256x1xf32> to vector<256x16xf32>
    %eq3A_392 = arith.cmpf oeq, %eq3A_390, %eq3A_391 : vector<256x16xf32>
    %jit3A_393 = arith.constant 0.000000e+00 : f32
    %broadcast_in_dim3A_394 = vector.broadcast %jit3A_393 : f32 to vector<256x16xf32>
    %select_n3A_395 = arith.select %eq3A_392, %concatenate3A_200, %broadcast_in_dim3A_394 : vector<256x16xi1>, vector<256x16xf32>
    %reduce_sum3A_396 = arith.constant dense<0.000000e+00> : vector<256xf32>
    %reduce_sum3A_397 = vector.multi_reduction <add>, %select_n3A_395, %reduce_sum3A_396 [1] : vector<256x16xf32> to vector<256xf32>
    %broadcast_in_dim3A_398 = vector.shape_cast %reduce_sum3A_397 : vector<256xf32> to vector<256x1xf32>
    %concatenate3A_399 = tpu.concatenate %broadcast_in_dim3A_205, %broadcast_in_dim3A_229, %broadcast_in_dim3A_254, %broadcast_in_dim3A_279, %broadcast_in_dim3A_304, %broadcast_in_dim3A_329, %broadcast_in_dim3A_354, %broadcast_in_dim3A_379 in 1 : vector<256x1xf32>, vector<256x1xf32>, vector<256x1xf32>, vector<256x1xf32>, vector<256x1xf32>, vector<256x1xf32>, vector<256x1xf32>, vector<256x1xf32> -> vector<256x8xf32>
    %swap3A_400 = arith.constant 0 : index
    %swap3A_401 = arith.constant 0 : index
    %swap3A_402 = vector.load %arg2[%swap3A_400, %swap3A_401] : memref<256x8xf32, #tpu.memory_space<vmem>>, vector<256x8xf32>
    tpu.vector_store %arg2[%swap3A_400, %swap3A_401], %concatenate3A_399 {strides = array<i32>} : memref<256x8xf32, #tpu.memory_space<vmem>>, vector<256x8xf32>,
    %concatenate3A_403 = tpu.concatenate %broadcast_in_dim3A_223, %broadcast_in_dim3A_248, %broadcast_in_dim3A_273, %broadcast_in_dim3A_298, %broadcast_in_dim3A_323, %broadcast_in_dim3A_348, %broadcast_in_dim3A_373, %broadcast_in_dim3A_398 in 1 : vector<256x1xf32>, vector<256x1xf32>, vector<256x1xf32>, vector<256x1xf32>, vector<256x1xf32>, vector<256x1xf32>, vector<256x1xf32>, vector<256x1xf32> -> vector<256x8xf32>
    %convert_element_type3A_404 = arith.fptosi %concatenate3A_403 : vector<256x8xf32> to vector<256x8xi32>
    %swap3A_405 = arith.constant 0 : index
    %swap3A_406 = arith.constant 0 : index
    %swap3A_407 = vector.load %arg3[%swap3A_405, %swap3A_406] : memref<256x8xi32, #tpu.memory_space<vmem>>, vector<256x8xi32>
    tpu.vector_store %arg3[%swap3A_405, %swap3A_406], %convert_element_type3A_404 {strides = array<i32>} : memref<256x8xi32, #tpu.memory_space<vmem>>, vector<256x8xi32>,
    return
  }
  func.func @transform_0(%arg0: i32) -> (i32, i32) {
    %c0_i32 = arith.constant 0 : i32
    %c0_i32_0 = arith.constant 0 : i32
    %c0_i32_1 = arith.constant 0 : i32
    return %c0_i32, %c0_i32_0 : i32, i32
  }
  func.func @transform_1(%arg0: i32) -> (i32, i32) {
    %c0_i32 = arith.constant 0 : i32
    %c0_i32_0 = arith.constant 0 : i32
    return %arg0, %c0_i32 : i32, i32
  }
  func.func @transform_2(%arg0: i32) -> (i32, i32) {
    %c0_i32 = arith.constant 0 : i32
    %c0_i32_0 = arith.constant 0 : i32
    return %arg0, %c0_i32 : i32, i32
  }
}

module attributes {stable_mosaic.version = 14 : i64} {
  func.func @_loss_body(%arg0: i32, %arg1: memref<1024x128xf32, #tpu.memory_space<vmem>>, %arg2: memref<8192x128xf32, #tpu.memory_space<vmem>>, %arg3: memref<1024x8xf32, #tpu.memory_space<vmem>>, %arg4: memref<1024x8xi32, #tpu.memory_space<vmem>>, %arg5: memref<1x64xf32, #tpu.memory_space<vmem>>, %arg6: memref<1x1xf32, #tpu.memory_space<vmem>>, %arg7: memref<1x4xf32, #tpu.memory_space<vmem>>, %arg8: memref<1x1xf32, #tpu.memory_space<vmem>>, %arg9: memref<1x1xf32, #tpu.memory_space<vmem>>, %arg10: memref<1x64xf32, #tpu.memory_space<vmem>>) attributes {dimension_semantics = [#tpu.dimension_semantics<arbitrary>], iteration_bounds = array<i64: 8>, scalar_prefetch = 0 : i64, scratch_operands = 3 : i64, tpu.core_type = #tpu.core_type<tc>, window_params = [{transform_indices = @transform_0, window_bounds = array<i64: 1024, 128>}, {transform_indices = @transform_1, window_bounds = array<i64: 8192, 128>}, {transform_indices = @transform_2, window_bounds = array<i64: 1024, 8>}, {transform_indices = @transform_3, window_bounds = array<i64: 1024, 8>}, {pipeline_mode = #tpu.pipeline_mode<synchronous>, transform_indices = @transform_4, window_bounds = array<i64: 1, 64>}, {pipeline_mode = #tpu.pipeline_mode<synchronous>, transform_indices = @transform_5, window_bounds = array<i64: 1, 1>}, {pipeline_mode = #tpu.pipeline_mode<synchronous>, transform_indices = @transform_6, window_bounds = array<i64: 1, 4>}]} {
    %eq3A = arith.constant 0 : i32
    %eq3A_0 = arith.cmpi eq, %arg0, %eq3A : i32
    %convert_element_type3A = arith.extui %eq3A_0 : i1 to i32
    %cond3A = arith.constant 0 : i32
    %cond3A_1 = arith.cmpi ne, %convert_element_type3A, %cond3A : i32
    scf.if %cond3A_1 {
      %broadcast_in_dim3A_104 = arith.constant 0.000000e+00 : f32
      %broadcast_in_dim3A_105 = vector.broadcast %broadcast_in_dim3A_104 : f32 to vector<1x1xf32>
      %swap3A_106 = arith.constant 0 : index
      %swap3A_107 = arith.constant 0 : index
      %swap3A_108 = vector.load %arg8[%swap3A_106, %swap3A_107] : memref<1x1xf32, #tpu.memory_space<vmem>>, vector<1x1xf32>
      tpu.vector_store %arg8[%swap3A_106, %swap3A_107], %broadcast_in_dim3A_105 {strides = array<i32>} : memref<1x1xf32, #tpu.memory_space<vmem>>, vector<1x1xf32>,
      %broadcast_in_dim3A_109 = arith.constant 0.000000e+00 : f32
      %broadcast_in_dim3A_110 = vector.broadcast %broadcast_in_dim3A_109 : f32 to vector<1x1xf32>
      %swap3A_111 = arith.constant 0 : index
      %swap3A_112 = arith.constant 0 : index
      %swap3A_113 = vector.load %arg9[%swap3A_111, %swap3A_112] : memref<1x1xf32, #tpu.memory_space<vmem>>, vector<1x1xf32>
      tpu.vector_store %arg9[%swap3A_111, %swap3A_112], %broadcast_in_dim3A_110 {strides = array<i32>} : memref<1x1xf32, #tpu.memory_space<vmem>>, vector<1x1xf32>,
      %broadcast_in_dim3A_114 = arith.constant 0.000000e+00 : f32
      %broadcast_in_dim3A_115 = vector.broadcast %broadcast_in_dim3A_114 : f32 to vector<1x64xf32>
      %swap3A_116 = arith.constant 0 : index
      %swap3A_117 = arith.constant 0 : index
      %swap3A_118 = vector.load %arg10[%swap3A_116, %swap3A_117] : memref<1x64xf32, #tpu.memory_space<vmem>>, vector<1x64xf32>
      tpu.vector_store %arg10[%swap3A_116, %swap3A_117], %broadcast_in_dim3A_115 {strides = array<i32>} : memref<1x64xf32, #tpu.memory_space<vmem>>, vector<1x64xf32>,
    } else {
    }
    %get3A = arith.constant 0 : index
    %get3A_2 = arith.constant 0 : index
    %get3A_3 = vector.load %arg1[%get3A, %get3A_2] : memref<1024x128xf32, #tpu.memory_space<vmem>>, vector<1024x128xf32>
    %slice3A = vector.extract_strided_slice %get3A_3 {offsets = [0, 0], sizes = [1024, 64], strides = [1, 1]} : vector<1024x128xf32> to vector<1024x64xf32>
    %slice3A_4 = vector.extract_strided_slice %get3A_3 {offsets = [0, 64], sizes = [1024, 1], strides = [1, 1]} : vector<1024x128xf32> to vector<1024x1xf32>
    %get3A_5 = arith.constant 0 : index
    %get3A_6 = arith.constant 0 : index
    %get3A_7 = vector.load %arg2[%get3A_5, %get3A_6] : memref<8192x128xf32, #tpu.memory_space<vmem>>, vector<8192x128xf32>
    %slice3A_8 = vector.extract_strided_slice %get3A_7 {offsets = [0, 0], sizes = [8192, 64], strides = [1, 1]} : vector<8192x128xf32> to vector<8192x64xf32>
    %slice3A_9 = vector.extract_strided_slice %get3A_7 {offsets = [0, 64], sizes = [8192, 1], strides = [1, 1]} : vector<8192x128xf32> to vector<8192x1xf32>
    %reshape3A = vector.shape_cast %slice3A_9 : vector<8192x1xf32> to vector<1024x8xf32>
    %broadcast_in_dim3A = vector.shape_cast %slice3A : vector<1024x64xf32> to vector<1024x1x64xf32>
    %reshape3A_10 = vector.shape_cast %slice3A_8 : vector<8192x64xf32> to vector<1024x8x64xf32>
    %add3A = vector.broadcast %broadcast_in_dim3A : vector<1024x1x64xf32> to vector<1024x8x64xf32>
    %add3A_11 = arith.addf %add3A, %reshape3A_10 : vector<1024x8x64xf32>
    %log3A = math.log %add3A_11 : vector<1024x8x64xf32>
    %mul3A = arith.mulf %add3A_11, %log3A : vector<1024x8x64xf32>
    %reduce_sum3A = arith.constant dense<0.000000e+00> : vector<1024x8xf32>
    %reduce_sum3A_12 = vector.multi_reduction <add>, %mul3A, %reduce_sum3A [2] : vector<1024x8x64xf32> to vector<1024x8xf32>
    %reduce_sum3A_13 = arith.constant dense<0.000000e+00> : vector<1024x8xf32>
    %reduce_sum3A_14 = vector.multi_reduction <add>, %add3A_11, %reduce_sum3A_13 [2] : vector<1024x8x64xf32> to vector<1024x8xf32>
    %add3A_15 = vector.broadcast %slice3A_4 : vector<1024x1xf32> to vector<1024x8xf32>
    %add3A_16 = arith.addf %add3A_15, %reshape3A : vector<1024x8xf32>
    %sub3A = arith.subf %add3A_16, %reduce_sum3A_12 : vector<1024x8xf32>
    %mul3A_17 = arith.constant 0.693147182 : f32
    %mul3A_18 = vector.broadcast %mul3A_17 : f32 to vector<1024x8xf32>
    %mul3A_19 = arith.mulf %mul3A_18, %reduce_sum3A_14 : vector<1024x8xf32>
    %add3A_20 = arith.addf %sub3A, %mul3A_19 : vector<1024x8xf32>
    %mul3A_21 = arith.constant 5.000000e-01 : f32
    %mul3A_22 = vector.broadcast %mul3A_21 : f32 to vector<1024x8xf32>
    %mul3A_23 = arith.mulf %mul3A_22, %add3A_20 : vector<1024x8xf32>
    %get3A_24 = arith.constant 0 : index
    %get3A_25 = arith.constant 0 : index
    %get3A_26 = vector.load %arg8[%get3A_24, %get3A_25] : memref<1x1xf32, #tpu.memory_space<vmem>>, vector<1x1xf32>
    %get3A_27 = arith.constant 0 : index
    %get3A_28 = arith.constant 0 : index
    %get3A_29 = vector.load %arg3[%get3A_27, %get3A_28] : memref<1024x8xf32, #tpu.memory_space<vmem>>, vector<1024x8xf32>
    %mul3A_30 = arith.mulf %get3A_29, %mul3A_23 : vector<1024x8xf32>
    %reduce_sum3A_31 = vector.shape_cast %mul3A_30 : vector<1024x8xf32> to vector<1x1024x8xf32>
    %reduce_sum3A_32 = arith.constant dense<0.000000e+00> : vector<1xf32>
    %reduce_sum3A_33 = vector.multi_reduction <add>, %reduce_sum3A_31, %reduce_sum3A_32 [1, 2] : vector<1x1024x8xf32> to vector<1xf32>
    %reduce_sum3A_34 = vector.shape_cast %reduce_sum3A_33 : vector<1xf32> to vector<1x1x1xf32>
    %reduce_sum3A_35 = vector.extract %reduce_sum3A_34[0, 0, 0] : f32 from vector<1x1x1xf32>
    %broadcast_in_dim3A_36 = vector.broadcast %reduce_sum3A_35 : f32 to vector<1x1xf32>
    %add3A_37 = arith.addf %get3A_26, %broadcast_in_dim3A_36 : vector<1x1xf32>
    %swap3A = arith.constant 0 : index
    %swap3A_38 = arith.constant 0 : index
    %swap3A_39 = vector.load %arg8[%swap3A, %swap3A_38] : memref<1x1xf32, #tpu.memory_space<vmem>>, vector<1x1xf32>
    tpu.vector_store %arg8[%swap3A, %swap3A_38], %add3A_37 {strides = array<i32>} : memref<1x1xf32, #tpu.memory_space<vmem>>, vector<1x1xf32>,
    %get3A_40 = arith.constant 0 : index
    %get3A_41 = arith.constant 0 : index
    %get3A_42 = vector.load %arg5[%get3A_40, %get3A_41] : memref<1x64xf32, #tpu.memory_space<vmem>>, vector<1x64xf32>
    %add3A_43 = vector.broadcast %get3A_42 : vector<1x64xf32> to vector<1024x64xf32>
    %add3A_44 = arith.addf %slice3A, %add3A_43 : vector<1024x64xf32>
    %log3A_45 = math.log %add3A_44 : vector<1024x64xf32>
    %mul3A_46 = arith.mulf %add3A_44, %log3A_45 : vector<1024x64xf32>
    %reduce_sum3A_47 = arith.constant dense<0.000000e+00> : vector<1024xf32>
    %reduce_sum3A_48 = vector.multi_reduction <add>, %mul3A_46, %reduce_sum3A_47 [1] : vector<1024x64xf32> to vector<1024xf32>
    %broadcast_in_dim3A_49 = vector.shape_cast %reduce_sum3A_48 : vector<1024xf32> to vector<1024x1xf32>
    %reduce_sum3A_50 = arith.constant dense<0.000000e+00> : vector<1024xf32>
    %reduce_sum3A_51 = vector.multi_reduction <add>, %add3A_44, %reduce_sum3A_50 [1] : vector<1024x64xf32> to vector<1024xf32>
    %broadcast_in_dim3A_52 = vector.shape_cast %reduce_sum3A_51 : vector<1024xf32> to vector<1024x1xf32>
    %get3A_53 = arith.constant 0 : index
    %get3A_54 = arith.constant 0 : index
    %get3A_55 = vector.load %arg6[%get3A_53, %get3A_54] : memref<1x1xf32, #tpu.memory_space<vmem>>, vector<1x1xf32>
    %add3A_56 = vector.broadcast %get3A_55 : vector<1x1xf32> to vector<1024x1xf32>
    %add3A_57 = arith.addf %slice3A_4, %add3A_56 : vector<1024x1xf32>
    %sub3A_58 = arith.subf %add3A_57, %broadcast_in_dim3A_49 : vector<1024x1xf32>
    %mul3A_59 = arith.constant 0.693147182 : f32
    %mul3A_60 = vector.broadcast %mul3A_59 : f32 to vector<1024x1xf32>
    %mul3A_61 = arith.mulf %mul3A_60, %broadcast_in_dim3A_52 : vector<1024x1xf32>
    %add3A_62 = arith.addf %sub3A_58, %mul3A_61 : vector<1024x1xf32>
    %mul3A_63 = arith.constant 5.000000e-01 : f32
    %mul3A_64 = vector.broadcast %mul3A_63 : f32 to vector<1024x1xf32>
    %mul3A_65 = arith.mulf %mul3A_64, %add3A_62 : vector<1024x1xf32>
    %get3A_66 = arith.constant 0 : index
    %get3A_67 = arith.constant 0 : index
    %get3A_68 = vector.load %arg9[%get3A_66, %get3A_67] : memref<1x1xf32, #tpu.memory_space<vmem>>, vector<1x1xf32>
    %reduce_sum3A_69 = vector.shape_cast %mul3A_65 : vector<1024x1xf32> to vector<1x1024x1xf32>
    %reduce_sum3A_70 = arith.constant dense<0.000000e+00> : vector<1xf32>
    %reduce_sum3A_71 = vector.multi_reduction <add>, %reduce_sum3A_69, %reduce_sum3A_70 [1, 2] : vector<1x1024x1xf32> to vector<1xf32>
    %reduce_sum3A_72 = vector.shape_cast %reduce_sum3A_71 : vector<1xf32> to vector<1x1x1xf32>
    %reduce_sum3A_73 = vector.extract %reduce_sum3A_72[0, 0, 0] : f32 from vector<1x1x1xf32>
    %broadcast_in_dim3A_74 = vector.broadcast %reduce_sum3A_73 : f32 to vector<1x1xf32>
    %add3A_75 = arith.addf %get3A_68, %broadcast_in_dim3A_74 : vector<1x1xf32>
    %swap3A_76 = arith.constant 0 : index
    %swap3A_77 = arith.constant 0 : index
    %swap3A_78 = vector.load %arg9[%swap3A_76, %swap3A_77] : memref<1x1xf32, #tpu.memory_space<vmem>>, vector<1x1xf32>
    tpu.vector_store %arg9[%swap3A_76, %swap3A_77], %add3A_75 {strides = array<i32>} : memref<1x1xf32, #tpu.memory_space<vmem>>, vector<1x1xf32>,
    %get3A_79 = arith.constant 0 : index
    %get3A_80 = arith.constant 0 : index
    %get3A_81 = vector.load %arg4[%get3A_79, %get3A_80] : memref<1024x8xi32, #tpu.memory_space<vmem>>, vector<1024x8xi32>
    %slice3A_82 = vector.extract_strided_slice %get3A_81 {offsets = [0, 0], sizes = [1024, 1], strides = [1, 1]} : vector<1024x8xi32> to vector<1024x1xi32>
    %iota3A = tpu.iota {dimensions = array<i32: 1>} : vector<1x64xi32>
    %get3A_83 = arith.constant 0 : index
    %get3A_84 = arith.constant 0 : index
    %get3A_85 = vector.load %arg10[%get3A_83, %get3A_84] : memref<1x64xf32, #tpu.memory_space<vmem>>, vector<1x64xf32>
    %eq3A_86 = vector.broadcast %slice3A_82 : vector<1024x1xi32> to vector<1024x64xi32>
    %eq3A_87 = vector.broadcast %iota3A : vector<1x64xi32> to vector<1024x64xi32>
    %eq3A_88 = arith.cmpi eq, %eq3A_86, %eq3A_87 : vector<1024x64xi32>
    %jit3A = arith.constant 1.000000e+00 : f32
    %jit3A_89 = arith.constant 0.000000e+00 : f32
    %broadcast_in_dim3A_90 = vector.broadcast %jit3A : f32 to vector<1024x64xf32>
    %broadcast_in_dim3A_91 = vector.broadcast %jit3A_89 : f32 to vector<1024x64xf32>
    %select_n3A = arith.select %eq3A_88, %broadcast_in_dim3A_90, %broadcast_in_dim3A_91 : vector<1024x64xi1>, vector<1024x64xf32>
    %reduce_sum3A_92 = arith.constant dense<0.000000e+00> : vector<64xf32>
    %reduce_sum3A_93 = vector.multi_reduction <add>, %select_n3A, %reduce_sum3A_92 [0] : vector<1024x64xf32> to vector<64xf32>
    %broadcast_in_dim3A_94 = vector.shape_cast %reduce_sum3A_93 : vector<64xf32> to vector<1x64xf32>
    %add3A_95 = arith.addf %get3A_85, %broadcast_in_dim3A_94 : vector<1x64xf32>
    %swap3A_96 = arith.constant 0 : index
    %swap3A_97 = arith.constant 0 : index
    %swap3A_98 = vector.load %arg10[%swap3A_96, %swap3A_97] : memref<1x64xf32, #tpu.memory_space<vmem>>, vector<1x64xf32>
    tpu.vector_store %arg10[%swap3A_96, %swap3A_97], %add3A_95 {strides = array<i32>} : memref<1x64xf32, #tpu.memory_space<vmem>>, vector<1x64xf32>,
    %eq3A_99 = arith.constant 7 : i32
    %eq3A_100 = arith.cmpi eq, %arg0, %eq3A_99 : i32
    %convert_element_type3A_101 = arith.extui %eq3A_100 : i1 to i32
    %cond3A_102 = arith.constant 0 : i32
    %cond3A_103 = arith.cmpi ne, %convert_element_type3A_101, %cond3A_102 : i32
    scf.if %cond3A_103 {
      %get3A_104 = arith.constant 0 : index
      %get3A_105 = arith.constant 0 : index
      %get3A_106 = vector.load %arg8[%get3A_104, %get3A_105] : memref<1x1xf32, #tpu.memory_space<vmem>>, vector<1x1xf32>
      %div3A = arith.constant 6.553600e+04 : f32
      %div3A_107 = vector.broadcast %div3A : f32 to vector<1x1xf32>
      %div3A_108 = arith.divf %get3A_106, %div3A_107 : vector<1x1xf32>
      %get3A_109 = arith.constant 0 : index
      %get3A_110 = arith.constant 0 : index
      %get3A_111 = vector.load %arg9[%get3A_109, %get3A_110] : memref<1x1xf32, #tpu.memory_space<vmem>>, vector<1x1xf32>
      %div3A_112 = arith.constant 8.192000e+03 : f32
      %div3A_113 = vector.broadcast %div3A_112 : f32 to vector<1x1xf32>
      %div3A_114 = arith.divf %get3A_111, %div3A_113 : vector<1x1xf32>
      %get3A_115 = arith.constant 0 : index
      %get3A_116 = arith.constant 0 : index
      %get3A_117 = vector.load %arg10[%get3A_115, %get3A_116] : memref<1x64xf32, #tpu.memory_space<vmem>>, vector<1x64xf32>
      %reduce_sum3A_118 = vector.shape_cast %get3A_117 : vector<1x64xf32> to vector<1x1x64xf32>
      %reduce_sum3A_119 = arith.constant dense<0.000000e+00> : vector<1xf32>
      %reduce_sum3A_120 = vector.multi_reduction <add>, %reduce_sum3A_118, %reduce_sum3A_119 [1, 2] : vector<1x1x64xf32> to vector<1xf32>
      %reduce_sum3A_121 = vector.shape_cast %reduce_sum3A_120 : vector<1xf32> to vector<1x1x1xf32>
      %reduce_sum3A_122 = vector.extract %reduce_sum3A_121[0, 0, 0] : f32 from vector<1x1x1xf32>
      %broadcast_in_dim3A_123 = vector.broadcast %reduce_sum3A_122 : f32 to vector<1x1xf32>
      %div3A_124 = arith.constant 6.400000e+01 : f32
      %div3A_125 = vector.broadcast %div3A_124 : f32 to vector<1x1xf32>
      %div3A_126 = arith.divf %broadcast_in_dim3A_123, %div3A_125 : vector<1x1xf32>
      %max3A = arith.constant 9.99999993E-9 : f32
      %max3A_127 = vector.broadcast %max3A : f32 to vector<1x1xf32>
      %max3A_128 = arith.maximumf %div3A_126, %max3A_127 : vector<1x1xf32>
      %div3A_129 = vector.broadcast %max3A_128 : vector<1x1xf32> to vector<1x64xf32>
      %div3A_130 = arith.divf %get3A_117, %div3A_129 : vector<1x64xf32>
      %sub3A_131 = arith.constant 1.500000e+00 : f32
      %sub3A_132 = vector.broadcast %sub3A_131 : f32 to vector<1x64xf32>
      %sub3A_133 = arith.subf %div3A_130, %sub3A_132 : vector<1x64xf32>
      %max3A_134 = arith.constant 0.000000e+00 : f32
      %max3A_135 = vector.broadcast %max3A_134 : f32 to vector<1x64xf32>
      %max3A_136 = arith.maximumf %sub3A_133, %max3A_135 : vector<1x64xf32>
      %integer_pow3A = arith.mulf %max3A_136, %max3A_136 : vector<1x64xf32>
      %reduce_sum3A_137 = vector.shape_cast %integer_pow3A : vector<1x64xf32> to vector<1x1x64xf32>
      %reduce_sum3A_138 = arith.constant dense<0.000000e+00> : vector<1xf32>
      %reduce_sum3A_139 = vector.multi_reduction <add>, %reduce_sum3A_137, %reduce_sum3A_138 [1, 2] : vector<1x1x64xf32> to vector<1xf32>
      %reduce_sum3A_140 = vector.shape_cast %reduce_sum3A_139 : vector<1xf32> to vector<1x1x1xf32>
      %reduce_sum3A_141 = vector.extract %reduce_sum3A_140[0, 0, 0] : f32 from vector<1x1x1xf32>
      %broadcast_in_dim3A_142 = vector.broadcast %reduce_sum3A_141 : f32 to vector<1x1xf32>
      %div3A_143 = arith.constant 6.400000e+01 : f32
      %div3A_144 = vector.broadcast %div3A_143 : f32 to vector<1x1xf32>
      %div3A_145 = arith.divf %broadcast_in_dim3A_142, %div3A_144 : vector<1x1xf32>
      %mul3A_146 = arith.constant 1.000000e-01 : f32
      %mul3A_147 = vector.broadcast %mul3A_146 : f32 to vector<1x1xf32>
      %mul3A_148 = arith.mulf %mul3A_147, %div3A_108 : vector<1x1xf32>
      %mul3A_149 = arith.constant 5.000000e-02 : f32
      %mul3A_150 = vector.broadcast %mul3A_149 : f32 to vector<1x1xf32>
      %mul3A_151 = arith.mulf %mul3A_150, %div3A_145 : vector<1x1xf32>
      %add3A_152 = arith.addf %mul3A_148, %mul3A_151 : vector<1x1xf32>
      %mul3A_153 = arith.constant 0.00999999977 : f32
      %mul3A_154 = vector.broadcast %mul3A_153 : f32 to vector<1x1xf32>
      %mul3A_155 = arith.mulf %mul3A_154, %div3A_114 : vector<1x1xf32>
      %add3A_156 = arith.addf %add3A_152, %mul3A_155 : vector<1x1xf32>
      %concatenate3A = tpu.concatenate %div3A_108, %div3A_145, %div3A_114, %add3A_156 in 1 : vector<1x1xf32>, vector<1x1xf32>, vector<1x1xf32>, vector<1x1xf32> -> vector<1x4xf32>
      %swap3A_157 = arith.constant 0 : index
      %swap3A_158 = arith.constant 0 : index
      %swap3A_159 = vector.load %arg7[%swap3A_157, %swap3A_158] : memref<1x4xf32, #tpu.memory_space<vmem>>, vector<1x4xf32>
      tpu.vector_store %arg7[%swap3A_157, %swap3A_158], %concatenate3A {strides = array<i32>} : memref<1x4xf32, #tpu.memory_space<vmem>>, vector<1x4xf32>,
    } else {
    }
    return
  }
  func.func @transform_0(%arg0: i32) -> (i32, i32) {
    %c0_i32 = arith.constant 0 : i32
    %c0_i32_0 = arith.constant 0 : i32
    return %arg0, %c0_i32 : i32, i32
  }
  func.func @transform_1(%arg0: i32) -> (i32, i32) {
    %c0_i32 = arith.constant 0 : i32
    %c0_i32_0 = arith.constant 0 : i32
    return %arg0, %c0_i32 : i32, i32
  }
  func.func @transform_2(%arg0: i32) -> (i32, i32) {
    %c0_i32 = arith.constant 0 : i32
    %c0_i32_0 = arith.constant 0 : i32
    return %arg0, %c0_i32 : i32, i32
  }
  func.func @transform_3(%arg0: i32) -> (i32, i32) {
    %c0_i32 = arith.constant 0 : i32
    %c0_i32_0 = arith.constant 0 : i32
    return %arg0, %c0_i32 : i32, i32
  }
  func.func @transform_4(%arg0: i32) -> (i32, i32) {
    %c0_i32 = arith.constant 0 : i32
    %c0_i32_0 = arith.constant 0 : i32
    %c0_i32_1 = arith.constant 0 : i32
    return %c0_i32, %c0_i32_0 : i32, i32
  }
  func.func @transform_5(%arg0: i32) -> (i32, i32) {
    %c0_i32 = arith.constant 0 : i32
    %c0_i32_0 = arith.constant 0 : i32
    %c0_i32_1 = arith.constant 0 : i32
    return %c0_i32, %c0_i32_0 : i32, i32
  }
  func.func @transform_6(%arg0: i32) -> (i32, i32) {
    %c0_i32 = arith.constant 0 : i32
    %c0_i32_0 = arith.constant 0 : i32
    %c0_i32_1 = arith.constant 0 : i32
    return %c0_i32, %c0_i32_0 : i32, i32
  }
}

</mosaic_0001>

<sc_bundles>
// kernel: kernel.6.cloned.1.call-start
scs
__scs_entry_jumppad:
0x0: {  	(pc) =	sbr.rel $0x88, $3  }
0x1: {  	(tag) =	ssettag $0x0;
	lr =	simm.s32 $0x1  }
0x2: {  	[smem:$0x3F9E] =	sst lr;
	_ =	strace $0xD0000000  }
0x3: {  	_ = 	snop  }
0x4: {  	_ = 	snop  }
0x5: {  	_ = 	snop  }
0x6: {  	_ = 	snop  }
0x7: {  	_ = 	snop  }
__scs_overlays_trampoline_lowered:
0x8: {  	[smem:$0x3FAD] =	sst s0  }
0x9: {  	[smem:$0x3FAE] =	sst s1  }
0xa: {  	[smem:$0x3FAF] =	sst s2  }
0xb: {  	[smem:$0x3FB0] =	sst s3  }
0xc: {  	[smem:$0x3FB1] =	sst s4  }
0xd: {  	[smem:$0x3FB2] =	sst s5  }
0xe: {  	[smem:$0x3FB3] =	sst s6  }
0xf: {  	[smem:$0x3FB4] =	sst s7  }
0x10: {  	[smem:$0x3FB5] =	sst s8  }
0x11: {  	[smem:$0x3FB6] =	sst s9;
	s0 =	simm.s32 @!p0 $0x0  }
0x12: {  	s1 =	sld [smem:$0x3F9C];
	s0 =	simm.s32 @p0 $0x1  }
0x13: {  	[smem:$0x3FB7] =	sst s0;
	s0 =	simm.s32 @!p1 $0x0  }
0x14: {  	s2 =	sld [smem:$0x3F9B];
	s0 =	simm.s32 @p1 $0x1  }
0x15: {  	[smem:$0x3FB8] =	sst s0;
	s0 =	simm.s32 @!p2 $0x0  }
0x16: {  	s3 =	sld [smem:$0x3FDB];
	s0 =	simm.s32 @p2 $0x1  }
0x17: {  	s4 =	simm.s32 $0x1BF5;
	[smem:$0x3FBA] =	sst s0  }
0x18: {  	s0 =	sld [smem:$0x3F9D];
	_ =	swait.ge [sflag:s4], $0x0  }
0x19: {  	s7 =	sld [smem:$0x3F9E]  }
0x1a: {  	s8 =	sadd.s32 $0xFFFFE003, lr  }
0x1b: {  	s9 =	sadd.s32 $0xFFFFFEF7, lr;
	s5 =	simm.s32 $0xFFFFFFFF;
	p2 =	slt.u32 s8, $0xFFFFF086  }
0x1c: {  	p1 =	slt.u32 s9, $0xF7A;
	s5 =	simm.s32 @!p2 $0x0  }
0x1d: {  	s5 =	simm.s32 @p1 $0x1;
	p0 =	seq.s32 s7, s2  }
0x1e: {  	s7 =	smul.u32 @!p0 $0xF7A, s2;
	p2 =	seq.s32 @!p0 s5, $0x0  }
0x1f: {  	s9 =	smul.u32 $0xF7A, s1;
	s8 =	simm.s32 @!p0 $0x1BF5;
	p2 =	por !p2, p0  }
0x20: {  	[sflag:s8] =	ssyncset.s32 @!p0 $0xFFFFF086;
	s6 =	sadd.s32 @!p0 s3, s7;
	s7 =	simm.s32 @!p0 $0x108  }
0x21: {  	s3 =	sadd.s32 s3, s9;
	s6 =	sadd.s32 @!p0 $0x88, s6;
	s7 =	simm.s32 @p2 $0x1082  }
0x22: {  	[simem:s7], [sflag:s8] =	dma.local @!p0 [hbm:s6], $0xF7A  }
0x23: {  	s9 =	sor.u32 $0xD0000000, s2;
	s6 =	simm.s32 $0x108;
	_ =	swait.ge @!p0 [sflag:s8], $0x0  }
0x24: {  	s3 =	sadd.s32 $0x88, s3;
	s6 =	simm.s32 @!p1 $0x1082;
	[sflag:s4] =	ssyncset.s32 $0xFFFFF086  }
0x25: {  	[simem:s6], [sflag:s4] =	dma.local [hbm:s3], $0xF7A  }
0x26: {  	[smem:$0x3F9E] =	sst s1;
	(tag) =	ssettag s2;
	_ =	strace s9  }
0x27: {  	s1 =	sld [smem:$0x3FAE]  }
0x28: {  	s2 =	sld [smem:$0x3FAF]  }
0x29: {  	s4 =	sld [smem:$0x3FB1]  }
0x2a: {  	p0 =	seq.s32 s5, $0x0;
	s5 =	sld [smem:$0x3FB2]  }
0x2b: {  	s6 =	sld [smem:$0x3FB3]  }
0x2c: {  	s7 =	sld [smem:$0x3FB4]  }
0x2d: {  	s3 =	simm.s32 $0x108;
	s8 =	sld [smem:$0x3FB5]  }
0x2e: {  	s3 =	simm.s32 @!p0 $0x1082;
	s9 =	sld [smem:$0x3FB6]  }
0x2f: {  	lr =	sadd.s32 s0, s3;
	s0 =	sld [smem:$0x3FAD]  }
0x30: {  	s3 =	sld [smem:$0x3FB0]  }
0x31: {  	[smem:$0x3FB9] =	sst s10  }
0x32: {  	s10 =	sld [smem:$0x3FB7];
	_ =	sdelay $0x3  }
0x33: {  	p0 =	seq.s32 s10, $0x1;
	s10 =	sld [smem:$0x3FB9];
	_ =	sdelay $0x3  }
0x34: {  	[smem:$0x3FB9] =	sst s10  }
0x35: {  	s10 =	sld [smem:$0x3FB8];
	_ =	sdelay $0x3  }
0x36: {  	p1 =	seq.s32 s10, $0x1;
	s10 =	sld [smem:$0x3FB9];
	_ =	sdelay $0x3  }
0x37: {  	[smem:$0x3FB9] =	sst s10  }
0x38: {  	s10 =	sld [smem:$0x3FBA]  }
0x39: {  	_ = 	snop;
	(pc) =	sbr.ind lr, $3  }
0x3a: {  	_ = 	snop  }
0x3b: {  	_ = 	snop  }
0x3c: {  	p2 =	seq.s32 s10, $0x1;
	s10 =	sld [smem:$0x3FB9]  }
0x3d: {  	_ =	shalt  }
0x3e: {  	_ =	shalt  }
0x3f: {  	_ =	shalt  }
0x40: {  	_ =	shalt  }
0x41: {  	_ =	shalt  }
0x42: {  	_ =	shalt  }
0x43: {  	_ =	shalt  }
0x44: {  	_ =	shalt  }
0x45: {  	_ =	shalt  }
0x46: {  	_ =	shalt  }
0x47: {  	_ =	shalt  }
0x48: {  	_ =	shalt  }
0x49: {  	_ =	shalt  }
0x4a: {  	_ =	shalt  }
0x4b: {  	_ =	shalt  }
0x4c: {  	_ =	shalt  }
0x4d: {  	_ =	shalt  }
0x4e: {  	_ =	shalt  }
0x4f: {  	_ =	shalt  }
0x50: {  	_ =	shalt  }
0x51: {  	_ =	shalt  }
0x52: {  	_ =	shalt  }
0x53: {  	_ =	shalt  }
0x54: {  	_ =	shalt  }
0x55: {  	_ =	shalt  }
0x56: {  	_ =	shalt  }
0x57: {  	_ =	shalt  }
0x58: {  	_ =	shalt  }
0x59: {  	_ =	shalt  }
0x5a: {  	_ =	shalt  }
0x5b: {  	_ =	shalt  }
0x5c: {  	_ =	shalt  }
0x5d: {  	_ =	shalt  }
0x5e: {  	_ =	shalt  }
0x5f: {  	_ =	shalt  }
0x60: {  	_ =	shalt  }
0x61: {  	_ =	shalt  }
0x62: {  	_ =	shalt  }
0x63: {  	_ =	shalt  }
0x64: {  	_ =	shalt  }
0x65: {  	_ =	shalt  }
0x66: {  	_ =	shalt  }
0x67: {  	_ =	shalt  }
0x68: {  	_ =	shalt  }
0x69: {  	_ =	shalt  }
0x6a: {  	_ =	shalt  }
0x6b: {  	_ =	shalt  }
0x6c: {  	_ =	shalt  }
0x6d: {  	_ =	shalt  }
0x6e: {  	_ =	shalt  }
0x6f: {  	_ =	shalt  }
0x70: {  	_ =	shalt  }
0x71: {  	_ =	shalt  }
0x72: {  	_ =	shalt  }
0x73: {  	_ =	shalt  }
0x74: {  	_ =	shalt  }
0x75: {  	_ =	shalt  }
0x76: {  	_ =	shalt  }
0x77: {  	_ =	shalt  }
0x78: {  	_ =	shalt  }
0x79: {  	_ =	shalt  }
0x7a: {  	_ =	shalt  }
0x7b: {  	_ =	shalt  }
0x7c: {  	_ =	shalt  }
0x7d: {  	_ =	shalt  }
0x7e: {  	_ =	shalt  }
0x7f: {  	_ =	shalt  }
0x80: {  	_ =	shalt  }
0x81: {  	_ =	shalt  }
0x82: {  	_ =	shalt  }
0x83: {  	_ =	shalt  }
0x84: {  	_ =	shalt  }
0x85: {  	_ =	shalt  }
0x86: {  	_ =	shalt  }
0x87: {  	_ =	shalt  }
.Lfunc_end0:
.L_simem_size_0:
called_computation_lowered:
.L_overlay_start_0:
0x88: {  	s2 =	sld [smem:$0x3FD9]  }
0x89: {  	s3 =	sld [smem:$0x3FFE];
	_ =	sdelay $0x1  }
0x8a: {  	s1 =	srdreg.scid  }
0x8b: {  	s0 =	sand.u32 $0x1, s1  }
0x8c: {  	s16 =	sshll.u32 s0, $0xA;
	s2 =	sadd.s32 s3, s2  }
0x8d: {  	s2 =	sadd.s32 s2, s16  }
0x8e: {  	[smem:$0x3FC5] =	sst s2  }
0x8f: {  	_ = 	snop  }
0x90: {  	(tm) =	ssettm $0x1  }
0x91: {  	s17 =	sld [smem:$0x3FFB];
	_ =	sdelay $0x3  }
0x92: {  	_ =	strace s17  }
0x93: {  	s2 =	sld [smem:$0x3FFC];
	_ =	sdelay $0x3  }
0x94: {  	_ =	strace s2  }
0x95: {  	s2 =	sld [smem:$0x3FFD];
	_ =	sdelay $0x3  }
0x96: {  	_ =	strace s2  }
0x97: {  	_ =	strace $0x8FFFFFFF  }
0x98: {  	s18 =	sld [smem:$0x3FDB];
	_ =	sdelay $0x1  }
0x99: {  	s19 =	simm.s32 $_scs_section_size  }
0x9a: {  	s4 =	simm.s32 $_size__tile_overlayer_lowered;
	s5 =	simm.s32 $_tile_overlayer_lowered  }
0x9b: {  	s22 =	simm.s32 $0x1BFF;
	s21 =	sshll.u32 s5, $0x1;
	s2 =	sadd.s32 s19, s18  }
0x9c: {  	s6 =	simm.s32 $0x0;
	s20 =	sshll.u32 s4, $0x1;
	s4 =	sadd.s32 s21, s2  }
0x9d: {  	[timem:s6], [sflag:s22] =	dma.local [hbm:s4], s20  }
0x9e: {  	_ =	swait.ge [sflag:s22], s20  }
0x9f: {  	s3 =	ssub.s32 $0x0, s20;
	[sflag:s22] =	ssyncset.done $0x0  }
0xa0: {  	[sflag:s22] =	ssyncadd.s32 s3;
	_ =	sdelay $0x1  }
0xa1: {  	s23 =	simm.s32 $0x1B8B  }
0xa2: {  	_ =	swait.ge [sflag:s23], $0x1  }
0xa3: {  	[sflag:s23] =	ssyncset.done $0x0  }
0xa4: {  	s25 =	simm.s32 $0x1B8E;
	s24 =	sld [smem:$0x3FFE];
	[sflag:s23] =	ssyncadd.s32 $0xFFFFFFFF  }
0xa5: {  	s26 =	simm.s32 $execute0_lowered;
	[smem:$0x3FD2] =	sst s25  }
0xa6: {  	s4 =	sshll.u32 s26, $0x1;
	_ =	strace $0x80000046;
	[dreg:$0x1] =	wrdreg $0xFFFFFFFF  }
0xa7: {  	s28 =	simm.s32 $_size_execute0_lowered;
	s2 =	sadd.s32 s2, s4;
	[dreg:$0x0] =	wrdreg $0x0  }
0xa8: {  	s4 =	sshll.u32 s28, $0x1;
	[dreg:$0x2] =	wrdreg s2  }
0xa9: {  	[dreg:$0x3] =	wrdreg s4  }
0xaa: {  	[dreg:$0x4] =	wrdreg $0xC0  }
0xab: {  	_ =	task [dreg:s6], $0x5FFFF  }
0xac: {  	[dreg:$0x1] =	wrdreg $0xFFFFFFFF  }
0xad: {  	[dreg:$0x0] =	wrdreg $0x60  }
0xae: {  	[dreg:$0x2] =	wrdreg s24  }
0xaf: {  	[dreg:$0x3] =	wrdreg $0x9  }
0xb0: {  	_ =	task.clear_ibuf [dreg:s6], $0x4FFFF;
	_ =	strace $0x90000046  }
0xb1: {  	s29 =	simm.s32 $0x9;
	_ =	strace $0x80000048  }
0xb2: {  	_ =	swait.ge [sflag:s29], $0x1  }
0xb3: {  	[sflag:s29] =	ssyncadd.s32 $0xFFFFFFFF  }
0xb4: {  	_ =	strace $0x90000048  }
0xb5: {  	_ =	sfence  }
0xb6: {  	s30 =	sld [smem:$0x0];
	_ =	sdelay $0x2  }
0xb7: {  	s31 =	sshll.u32 s1, $0xD;
	s1 =	sshrl.u32 s1, $0x2  }
0xb8: {  	s3 =	sand.u32 $0x4000, s31;
	s1 =	sadd.s32 s1, s30  }
0xb9: {  	s0 =	sor.u32 s3, s0;
	s1 =	sshll.u32 s1, $0x11  }
0xba: {  	s0 =	sor.u32 s1, s0  }
0xbb: {  	s0 =	sadd.s32 $0x8F2B, s0  }
0xbc: {  	[sflag:s0] =	ssyncadd.remote.s32 $0x1  }
0xbd: {  	_ =	sfence.sel $0xFFFF  }
0xbe: {  	[dreg:$0x0] =	wrdreg $0xFFFFFFFF;
	(pc) =	sbr.abs _section_cstart, $3  }
0xbf: {  	[dreg:$0x1] =	wrdreg $0xFFFFFFFF  }
0xc0: {  	_ =	task.clear_ibuf [dreg:s6], $0x2FFFF;
	_ =	strace $0x9FFFFFFF  }
0xc1: {  	(tm) =	ssettm $0x7FFFFFFF  }
tec
execute0_lowered:
.L_overlay_start_1:
0x0: {  	(tag) =	ssettag $0x1  }
0x1: {  	s1 =	srdreg.scid  }
0x2: {  	s0 =	stileid.u32;
	s4 =	rddreg [dreg:$0x0];
	s2 =	simm.s32 $0x0  }
0x3: {  	s1 =	sand.u32 $0x1, s1;
	s3 =	sshll.u32 s0, $0xC;
	[smem:$0x7FF] =	sst s2  }
0x4: {  	s29 =	sadd.s32 $0x21200, s4;
	[dreg:$0xd] =	wrdreg s1;
	s5 =	sshll.u32 s1, $0xB  }
0x5: {  	s31 =	sadd.s32 $0x23200, s4;
	s30 =	sor.u32 s5, s3;
	_ =	strace $0x80000047  }
0x6: {  	s3 =	sshrl.u32 s30, $0x3;
	s5 =	sor.u32 $0x80, s30;
	s6 =	sshll.u32 s30, $0x4  }
0x7: {  	s7 =	sor.u32 $0x100, s30;
	s10 =	sor.u32 $0x200, s30;
	s3 =	sadd.s32 s29, s3  }
0x8: {  	s23 =	sshrl.u32 s5, $0x3;
	s24 =	sadd.s32 s31, s6;
	[dreg:$0x2] =	wrdreg s3  }
0x9: {  	s25 =	sshrl.u32 s7, $0x3;
	s3 =	sadd.s32 s29, s23;
	[dreg:$0x4] =	wrdreg s24  }
0xa: {  	s5 =	sshll.u32 s5, $0x4;
	s26 =	sadd.s32 s29, s25;
	[dreg:$0x3] =	wrdreg s3  }
0xb: {  	s9 =	sshll.u32 s7, $0x4;
	s0 =	sadd.s32 s31, s5;
	[dreg:$0x5] =	wrdreg s26  }
0xc: {  	s12 =	sshrl.u32 s10, $0x3;
	s11 =	sadd.s32 s31, s9;
	[dreg:$0x6] =	wrdreg s0  }
0xd: {  	s1 =	sor.u32 $0x180, s30;
	s13 =	sadd.s32 s29, s12;
	[dreg:$0x8] =	wrdreg s11  }
0xe: {  	s8 =	sshrl.u32 s1, $0x3;
	s16 =	sshll.u32 s10, $0x4;
	[dreg:$0x9] =	wrdreg s13  }
0xf: {  	s5 =	sshll.u32 s1, $0x4;
	s18 =	sadd.s32 s31, s16;
	s17 =	rddreg [dreg:$0x2]  }
0x10: {  	s3 =	sadd.s32 s29, s8;
	s11 =	sor.u32 $0x280, s30;
	[dreg:$0xc] =	wrdreg s18  }
0x11: {  	s14 =	sadd.s32 s31, s5;
	[dreg:$0x7] =	wrdreg s3;
	s15 =	sshrl.u32 s11, $0x3  }
0x12: {  	[tilespmem:s2], [sflag:$0x3] =	stream.linear.gather [hbm4b:s17+s2], $0x80, $0x38;
	[tilespmem:$0x8100] =	vst v63  }
0x13: {  	[dreg:$0xa] =	wrdreg s14;
	s3 =	sadd.s32 s29, s15  }
0x14: {  	[dreg:$0xb] =	wrdreg s3;
	s3 =	simm.s32 $0x3  }
0x15: {  	_ =	swait.ge [sflag:s3], $0x80  }
0x16: {  	s4 =	sadd.s32 $0x1200, s4;
	[sflag:s3] =	ssyncset.done $0x0  }
0x17: {  	s6 =	simm.s32 $0x100;
	s5 =	simm.s32 $0x80;
	[sflag:s3] =	ssyncadd.s32 $0xFFFFFF80  }
0x18: {  	[tilespmem:s6], [sflag:$0x1] =	stream.indirect.gather [hbm4b:s4+s5], $0x80, s2, s5, $0xb8;
	[tilespmem:$0x8100] =	vst v63  }
0x19: {  	s19 =	rddreg [dreg:$0x3]  }
0x1a: {  	[tilespmem:s5], [sflag:$0x3] =	stream.linear.gather [hbm4b:s19+s2], $0x80, $0x38;
	[tilespmem:$0x8100] =	vst v63  }
0x1b: {  	_ =	swait.ge [sflag:s3], $0x80  }
0x1c: {  	[sflag:s3] =	ssyncset.done $0x0  }
0x1d: {  	s7 =	simm.s32 $0x4100;
	s8 =	simm.s32 $0x1;
	[sflag:s3] =	ssyncadd.s32 $0xFFFFFF80  }
0x1e: {  	[tilespmem:s7], [sflag:$0x2] =	stream.indirect.gather [hbm4b:s4+s5], $0x80, s5, s5, $0xb8;
	[tilespmem:$0x8100] =	vst v63  }
0x1f: {  	_ =	swait.ge [sflag:s8], $0x4000  }
0x20: {  	[sflag:s8] =	ssyncset.done $0x0  }
0x21: {  	s9 =	rddreg [dreg:$0x4];
	[sflag:s8] =	ssyncadd.s32 $0xFFFFC000  }
0x22: {  	[hbm4b:s9+s2] =	stream.linear.scatter [tilespmem:s6], [sflag:$0x3], $0x4000, $0x38;
	[tilespmem:$0x8100] =	vst v63  }
0x23: {  	_ =	swait.ge [sflag:s3], $0x4000  }
0x24: {  	[sflag:s3] =	ssyncset.done $0x0  }
0x25: {  	s20 =	rddreg [dreg:$0x5];
	[sflag:s3] =	ssyncadd.s32 $0xFFFFC000  }
0x26: {  	[tilespmem:s2], [sflag:$0x3] =	stream.linear.gather [hbm4b:s20+s2], $0x80, $0x38;
	[tilespmem:$0x8100] =	vst v63  }
0x27: {  	_ =	swait.ge [sflag:s3], $0x80  }
0x28: {  	[sflag:s3] =	ssyncset.done $0x0  }
0x29: {  	s9 =	simm.s32 $0x2;
	[sflag:s3] =	ssyncadd.s32 $0xFFFFFF80  }
0x2a: {  	[tilespmem:s6], [sflag:$0x1] =	stream.indirect.gather [hbm4b:s4+s5], $0x80, s2, s5, $0xb8;
	[tilespmem:$0x8100] =	vst v63  }
0x2b: {  	_ =	swait.ge [sflag:s9], $0x4000  }
0x2c: {  	[sflag:s9] =	ssyncset.done $0x0  }
0x2d: {  	s10 =	rddreg [dreg:$0x6];
	[sflag:s9] =	ssyncadd.s32 $0xFFFFC000  }
0x2e: {  	[hbm4b:s10+s2] =	stream.linear.scatter [tilespmem:s7], [sflag:$0x3], $0x4000, $0x38;
	[tilespmem:$0x8100] =	vst v63  }
0x2f: {  	_ =	swait.ge [sflag:s3], $0x4000  }
0x30: {  	[sflag:s3] =	ssyncset.done $0x0  }
0x31: {  	s21 =	rddreg [dreg:$0x7];
	[sflag:s3] =	ssyncadd.s32 $0xFFFFC000  }
0x32: {  	[tilespmem:s5], [sflag:$0x3] =	stream.linear.gather [hbm4b:s21+s2], $0x80, $0x38;
	[tilespmem:$0x8100] =	vst v63  }
0x33: {  	_ =	swait.ge [sflag:s3], $0x80  }
0x34: {  	[sflag:s3] =	ssyncset.done $0x0  }
0x35: {  	[sflag:s3] =	ssyncadd.s32 $0xFFFFFF80  }
0x36: {  	[tilespmem:s7], [sflag:$0x2] =	stream.indirect.gather [hbm4b:s4+s5], $0x80, s5, s5, $0xb8;
	[tilespmem:$0x8100] =	vst v63  }
0x37: {  	_ =	swait.ge [sflag:s8], $0x4000  }
0x38: {  	[sflag:s8] =	ssyncset.done $0x0  }
0x39: {  	s22 =	rddreg [dreg:$0x8];
	[sflag:s8] =	ssyncadd.s32 $0xFFFFC000  }
0x3a: {  	[hbm4b:s22+s2] =	stream.linear.scatter [tilespmem:s6], [sflag:$0x3], $0x4000, $0x38;
	[tilespmem:$0x8100] =	vst v63  }
0x3b: {  	_ =	swait.ge [sflag:s3], $0x4000  }
0x3c: {  	[sflag:s3] =	ssyncset.done $0x0  }
0x3d: {  	s23 =	rddreg [dreg:$0x9];
	[sflag:s3] =	ssyncadd.s32 $0xFFFFC000  }
0x3e: {  	[tilespmem:s2], [sflag:$0x3] =	stream.linear.gather [hbm4b:s23+s2], $0x80, $0x38;
	[tilespmem:$0x8100] =	vst v63  }
0x3f: {  	_ =	swait.ge [sflag:s3], $0x80  }
0x40: {  	[sflag:s3] =	ssyncset.done $0x0  }
0x41: {  	[sflag:s3] =	ssyncadd.s32 $0xFFFFFF80  }
0x42: {  	[tilespmem:s6], [sflag:$0x1] =	stream.indirect.gather [hbm4b:s4+s5], $0x80, s2, s5, $0xb8;
	[tilespmem:$0x8100] =	vst v63  }
0x43: {  	_ =	swait.ge [sflag:s9], $0x4000  }
0x44: {  	[sflag:s9] =	ssyncset.done $0x0  }
0x45: {  	s24 =	rddreg [dreg:$0xa];
	[sflag:s9] =	ssyncadd.s32 $0xFFFFC000  }
0x46: {  	[hbm4b:s24+s2] =	stream.linear.scatter [tilespmem:s7], [sflag:$0x3], $0x4000, $0x38;
	[tilespmem:$0x8100] =	vst v63  }
0x47: {  	_ =	swait.ge [sflag:s3], $0x4000  }
0x48: {  	[sflag:s3] =	ssyncset.done $0x0  }
0x49: {  	s25 =	rddreg [dreg:$0xb];
	[sflag:s3] =	ssyncadd.s32 $0xFFFFC000  }
0x4a: {  	[tilespmem:s5], [sflag:$0x3] =	stream.linear.gather [hbm4b:s25+s2], $0x80, $0x38;
	[tilespmem:$0x8100] =	vst v63  }
0x4b: {  	_ =	swait.ge [sflag:s3], $0x80  }
0x4c: {  	[sflag:s3] =	ssyncset.done $0x0  }
0x4d: {  	[sflag:s3] =	ssyncadd.s32 $0xFFFFFF80  }
0x4e: {  	[tilespmem:s7], [sflag:$0x2] =	stream.indirect.gather [hbm4b:s4+s5], $0x80, s5, s5, $0xb8;
	[tilespmem:$0x8100] =	vst v63  }
0x4f: {  	_ =	swait.ge [sflag:s8], $0x4000  }
0x50: {  	[sflag:s8] =	ssyncset.done $0x0  }
0x51: {  	s26 =	rddreg [dreg:$0xc];
	[sflag:s8] =	ssyncadd.s32 $0xFFFFC000  }
0x52: {  	[hbm4b:s26+s2] =	stream.linear.scatter [tilespmem:s6], [sflag:$0x3], $0x4000, $0x38;
	[tilespmem:$0x8100] =	vst v63  }
0x53: {  	s13 =	sor.u32 $0x300, s30;
	_ =	swait.ge [sflag:s3], $0x4000  }
0x54: {  	s0 =	sshrl.u32 s13, $0x3;
	[sflag:s3] =	ssyncset.done $0x0  }
0x55: {  	s10 =	sadd.s32 s29, s0;
	[sflag:s3] =	ssyncadd.s32 $0xFFFFC000  }
0x56: {  	[tilespmem:s2], [sflag:$0x3] =	stream.linear.gather [hbm4b:s10+s2], $0x80, $0x38;
	[tilespmem:$0x8100] =	vst v63  }
0x57: {  	_ =	swait.ge [sflag:s3], $0x80  }
0x58: {  	[sflag:s3] =	ssyncset.done $0x0  }
0x59: {  	[sflag:s3] =	ssyncadd.s32 $0xFFFFFF80  }
0x5a: {  	[tilespmem:s6], [sflag:$0x1] =	stream.indirect.gather [hbm4b:s4+s5], $0x80, s2, s5, $0xb8;
	[tilespmem:$0x8100] =	vst v63  }
0x5b: {  	_ =	swait.ge [sflag:s9], $0x4000  }
0x5c: {  	s11 =	sshll.u32 s11, $0x4;
	[sflag:s9] =	ssyncset.done $0x0  }
0x5d: {  	s11 =	sadd.s32 s31, s11;
	[sflag:s9] =	ssyncadd.s32 $0xFFFFC000  }
0x5e: {  	[hbm4b:s11+s2] =	stream.linear.scatter [tilespmem:s7], [sflag:$0x3], $0x4000, $0x38;
	[tilespmem:$0x8100] =	vst v63  }
0x5f: {  	s15 =	sor.u32 $0x380, s30;
	_ =	swait.ge [sflag:s3], $0x4000  }
0x60: {  	s12 =	sshrl.u32 s15, $0x3;
	[sflag:s3] =	ssyncset.done $0x0  }
0x61: {  	s12 =	sadd.s32 s29, s12;
	[sflag:s3] =	ssyncadd.s32 $0xFFFFC000  }
0x62: {  	[tilespmem:s5], [sflag:$0x3] =	stream.linear.gather [hbm4b:s12+s2], $0x80, $0x38;
	[tilespmem:$0x8100] =	vst v63  }
0x63: {  	_ =	swait.ge [sflag:s3], $0x80  }
0x64: {  	[sflag:s3] =	ssyncset.done $0x0  }
0x65: {  	[sflag:s3] =	ssyncadd.s32 $0xFFFFFF80  }
0x66: {  	[tilespmem:s7], [sflag:$0x2] =	stream.indirect.gather [hbm4b:s4+s5], $0x80, s5, s5, $0xb8;
	[tilespmem:$0x8100] =	vst v63  }
0x67: {  	_ =	swait.ge [sflag:s8], $0x4000  }
0x68: {  	s13 =	sshll.u32 s13, $0x4;
	[sflag:s8] =	ssyncset.done $0x0  }
0x69: {  	s13 =	sadd.s32 s31, s13;
	[sflag:s8] =	ssyncadd.s32 $0xFFFFC000  }
0x6a: {  	[hbm4b:s13+s2] =	stream.linear.scatter [tilespmem:s6], [sflag:$0x3], $0x4000, $0x38;
	[tilespmem:$0x8100] =	vst v63  }
0x6b: {  	s17 =	sor.u32 $0x400, s30;
	_ =	swait.ge [sflag:s3], $0x4000  }
0x6c: {  	s14 =	sshrl.u32 s17, $0x3;
	[sflag:s3] =	ssyncset.done $0x0  }
0x6d: {  	s14 =	sadd.s32 s29, s14;
	[sflag:s3] =	ssyncadd.s32 $0xFFFFC000  }
0x6e: {  	[tilespmem:s2], [sflag:$0x3] =	stream.linear.gather [hbm4b:s14+s2], $0x80, $0x38;
	[tilespmem:$0x8100] =	vst v63  }
0x6f: {  	_ =	swait.ge [sflag:s3], $0x80  }
0x70: {  	[sflag:s3] =	ssyncset.done $0x0  }
0x71: {  	[sflag:s3] =	ssyncadd.s32 $0xFFFFFF80  }
0x72: {  	[tilespmem:s6], [sflag:$0x1] =	stream.indirect.gather [hbm4b:s4+s5], $0x80, s2, s5, $0xb8;
	[tilespmem:$0x8100] =	vst v63  }
0x73: {  	_ =	swait.ge [sflag:s9], $0x4000  }
0x74: {  	s15 =	sshll.u32 s15, $0x4;
	[sflag:s9] =	ssyncset.done $0x0  }
0x75: {  	s15 =	sadd.s32 s31, s15;
	[sflag:s9] =	ssyncadd.s32 $0xFFFFC000  }
0x76: {  	[hbm4b:s15+s2] =	stream.linear.scatter [tilespmem:s7], [sflag:$0x3], $0x4000, $0x38;
	[tilespmem:$0x8100] =	vst v63  }
0x77: {  	s19 =	sor.u32 $0x480, s30;
	_ =	swait.ge [sflag:s3], $0x4000  }
0x78: {  	s16 =	sshrl.u32 s19, $0x3;
	[sflag:s3] =	ssyncset.done $0x0  }
0x79: {  	s16 =	sadd.s32 s29, s16;
	[sflag:s3] =	ssyncadd.s32 $0xFFFFC000  }
0x7a: {  	[tilespmem:s5], [sflag:$0x3] =	stream.linear.gather [hbm4b:s16+s2], $0x80, $0x38;
	[tilespmem:$0x8100] =	vst v63  }
0x7b: {  	_ =	swait.ge [sflag:s3], $0x80  }
0x7c: {  	[sflag:s3] =	ssyncset.done $0x0  }
0x7d: {  	[sflag:s3] =	ssyncadd.s32 $0xFFFFFF80  }
0x7e: {  	[tilespmem:s7], [sflag:$0x2] =	stream.indirect.gather [hbm4b:s4+s5], $0x80, s5, s5, $0xb8;
	[tilespmem:$0x8100] =	vst v63  }
0x7f: {  	_ =	swait.ge [sflag:s8], $0x4000  }
0x80: {  	s17 =	sshll.u32 s17, $0x4;
	[sflag:s8] =	ssyncset.done $0x0  }
0x81: {  	s17 =	sadd.s32 s31, s17;
	[sflag:s8] =	ssyncadd.s32 $0xFFFFC000  }
0x82: {  	[hbm4b:s17+s2] =	stream.linear.scatter [tilespmem:s6], [sflag:$0x3], $0x4000, $0x38;
	[tilespmem:$0x8100] =	vst v63  }
0x83: {  	s21 =	sor.u32 $0x500, s30;
	_ =	swait.ge [sflag:s3], $0x4000  }
0x84: {  	s18 =	sshrl.u32 s21, $0x3;
	[sflag:s3] =	ssyncset.done $0x0  }
0x85: {  	s18 =	sadd.s32 s29, s18;
	[sflag:s3] =	ssyncadd.s32 $0xFFFFC000  }
0x86: {  	[tilespmem:s2], [sflag:$0x3] =	stream.linear.gather [hbm4b:s18+s2], $0x80, $0x38;
	[tilespmem:$0x8100] =	vst v63  }
0x87: {  	_ =	swait.ge [sflag:s3], $0x80  }
0x88: {  	[sflag:s3] =	ssyncset.done $0x0  }
0x89: {  	[sflag:s3] =	ssyncadd.s32 $0xFFFFFF80  }
0x8a: {  	[tilespmem:s6], [sflag:$0x1] =	stream.indirect.gather [hbm4b:s4+s5], $0x80, s2, s5, $0xb8;
	[tilespmem:$0x8100] =	vst v63  }
0x8b: {  	_ =	swait.ge [sflag:s9], $0x4000  }
0x8c: {  	s19 =	sshll.u32 s19, $0x4;
	[sflag:s9] =	ssyncset.done $0x0  }
0x8d: {  	s19 =	sadd.s32 s31, s19;
	[sflag:s9] =	ssyncadd.s32 $0xFFFFC000  }
0x8e: {  	[hbm4b:s19+s2] =	stream.linear.scatter [tilespmem:s7], [sflag:$0x3], $0x4000, $0x38;
	[tilespmem:$0x8100] =	vst v63  }
0x8f: {  	s23 =	sor.u32 $0x580, s30;
	_ =	swait.ge [sflag:s3], $0x4000  }
0x90: {  	s20 =	sshrl.u32 s23, $0x3;
	[sflag:s3] =	ssyncset.done $0x0  }
0x91: {  	s20 =	sadd.s32 s29, s20;
	[sflag:s3] =	ssyncadd.s32 $0xFFFFC000  }
0x92: {  	[tilespmem:s5], [sflag:$0x3] =	stream.linear.gather [hbm4b:s20+s2], $0x80, $0x38;
	[tilespmem:$0x8100] =	vst v63  }
0x93: {  	_ =	swait.ge [sflag:s3], $0x80  }
0x94: {  	[sflag:s3] =	ssyncset.done $0x0  }
0x95: {  	[sflag:s3] =	ssyncadd.s32 $0xFFFFFF80  }
0x96: {  	[tilespmem:s7], [sflag:$0x2] =	stream.indirect.gather [hbm4b:s4+s5], $0x80, s5, s5, $0xb8;
	[tilespmem:$0x8100] =	vst v63  }
0x97: {  	_ =	swait.ge [sflag:s8], $0x4000  }
0x98: {  	s21 =	sshll.u32 s21, $0x4;
	[sflag:s8] =	ssyncset.done $0x0  }
0x99: {  	s21 =	sadd.s32 s31, s21;
	[sflag:s8] =	ssyncadd.s32 $0xFFFFC000  }
0x9a: {  	[hbm4b:s21+s2] =	stream.linear.scatter [tilespmem:s6], [sflag:$0x3], $0x4000, $0x38;
	[tilespmem:$0x8100] =	vst v63  }
0x9b: {  	s25 =	sor.u32 $0x600, s30;
	_ =	swait.ge [sflag:s3], $0x4000  }
0x9c: {  	s22 =	sshrl.u32 s25, $0x3;
	[sflag:s3] =	ssyncset.done $0x0  }
0x9d: {  	s22 =	sadd.s32 s29, s22;
	[sflag:s3] =	ssyncadd.s32 $0xFFFFC000  }
0x9e: {  	[tilespmem:s2], [sflag:$0x3] =	stream.linear.gather [hbm4b:s22+s2], $0x80, $0x38;
	[tilespmem:$0x8100] =	vst v63  }
0x9f: {  	_ =	swait.ge [sflag:s3], $0x80  }
0xa0: {  	[sflag:s3] =	ssyncset.done $0x0  }
0xa1: {  	[sflag:s3] =	ssyncadd.s32 $0xFFFFFF80  }
0xa2: {  	[tilespmem:s6], [sflag:$0x1] =	stream.indirect.gather [hbm4b:s4+s5], $0x80, s2, s5, $0xb8;
	[tilespmem:$0x8100] =	vst v63  }
0xa3: {  	_ =	swait.ge [sflag:s9], $0x4000  }
0xa4: {  	s23 =	sshll.u32 s23, $0x4;
	[sflag:s9] =	ssyncset.done $0x0  }
0xa5: {  	s23 =	sadd.s32 s31, s23;
	[sflag:s9] =	ssyncadd.s32 $0xFFFFC000  }
0xa6: {  	[hbm4b:s23+s2] =	stream.linear.scatter [tilespmem:s7], [sflag:$0x3], $0x4000, $0x38;
	[tilespmem:$0x8100] =	vst v63  }
0xa7: {  	s28 =	sor.u32 $0x680, s30;
	_ =	swait.ge [sflag:s3], $0x4000  }
0xa8: {  	s24 =	sshrl.u32 s28, $0x3;
	[sflag:s3] =	ssyncset.done $0x0  }
0xa9: {  	s24 =	sadd.s32 s29, s24;
	[sflag:s3] =	ssyncadd.s32 $0xFFFFC000  }
0xaa: {  	[tilespmem:s5], [sflag:$0x3] =	stream.linear.gather [hbm4b:s24+s2], $0x80, $0x38;
	[tilespmem:$0x8100] =	vst v63  }
0xab: {  	_ =	swait.ge [sflag:s3], $0x80  }
0xac: {  	[sflag:s3] =	ssyncset.done $0x0  }
0xad: {  	[sflag:s3] =	ssyncadd.s32 $0xFFFFFF80  }
0xae: {  	[tilespmem:s7], [sflag:$0x2] =	stream.indirect.gather [hbm4b:s4+s5], $0x80, s5, s5, $0xb8;
	[tilespmem:$0x8100] =	vst v63  }
0xaf: {  	_ =	swait.ge [sflag:s8], $0x4000  }
0xb0: {  	s25 =	sshll.u32 s25, $0x4;
	[sflag:s8] =	ssyncset.done $0x0  }
0xb1: {  	s25 =	sadd.s32 s31, s25;
	[sflag:s8] =	ssyncadd.s32 $0xFFFFC000  }
0xb2: {  	[hbm4b:s25+s2] =	stream.linear.scatter [tilespmem:s6], [sflag:$0x3], $0x4000, $0x38;
	[tilespmem:$0x8100] =	vst v63  }
0xb3: {  	s1 =	sor.u32 $0x700, s30;
	_ =	swait.ge [sflag:s3], $0x4000  }
0xb4: {  	s26 =	sshrl.u32 s1, $0x3;
	[sflag:s3] =	ssyncset.done $0x0  }
0xb5: {  	s26 =	sadd.s32 s29, s26;
	[sflag:s3] =	ssyncadd.s32 $0xFFFFC000  }
0xb6: {  	[tilespmem:s2], [sflag:$0x3] =	stream.linear.gather [hbm4b:s26+s2], $0x80, $0x38;
	[tilespmem:$0x8100] =	vst v63  }
0xb7: {  	_ =	swait.ge [sflag:s3], $0x80  }
0xb8: {  	[sflag:s3] =	ssyncset.done $0x0  }
0xb9: {  	[sflag:s3] =	ssyncadd.s32 $0xFFFFFF80  }
0xba: {  	[tilespmem:s6], [sflag:$0x1] =	stream.indirect.gather [hbm4b:s4+s5], $0x80, s2, s5, $0xb8;
	[tilespmem:$0x8100] =	vst v63  }
0xbb: {  	_ =	swait.ge [sflag:s9], $0x4000  }
0xbc: {  	s28 =	sshll.u32 s28, $0x4;
	[sflag:s9] =	ssyncset.done $0x0  }
0xbd: {  	s28 =	sadd.s32 s31, s28;
	[dreg:$0xe] =	wrdreg s31;
	[sflag:s9] =	ssyncadd.s32 $0xFFFFC000  }
0xbe: {  	[hbm4b:s28+s2] =	stream.linear.scatter [tilespmem:s7], [sflag:$0x3], $0x4000, $0x38;
	[tilespmem:$0x8100] =	vst v63  }
0xbf: {  	s0 =	sor.u32 $0x780, s30;
	_ =	swait.ge [sflag:s3], $0x4000  }
0xc0: {  	s30 =	sshrl.u32 s0, $0x3;
	[sflag:s3] =	ssyncset.done $0x0  }
0xc1: {  	s29 =	sadd.s32 s29, s30;
	[sflag:s3] =	ssyncadd.s32 $0xFFFFC000  }
0xc2: {  	[tilespmem:s5], [sflag:$0x3] =	stream.linear.gather [hbm4b:s29+s2], $0x80, $0x38;
	[tilespmem:$0x8100] =	vst v63  }
0xc3: {  	_ =	swait.ge [sflag:s3], $0x80  }
0xc4: {  	[sflag:s3] =	ssyncset.done $0x0  }
0xc5: {  	[sflag:s3] =	ssyncadd.s32 $0xFFFFFF80  }
0xc6: {  	[tilespmem:s7], [sflag:$0x2] =	stream.indirect.gather [hbm4b:s4+s5], $0x80, s5, s5, $0xb8;
	[tilespmem:$0x8100] =	vst v63  }
0xc7: {  	_ =	swait.ge [sflag:s8], $0x4000  }
0xc8: {  	s1 =	sshll.u32 s1, $0x4;
	[sflag:s8] =	ssyncset.done $0x0  }
0xc9: {  	s30 =	sadd.s32 s31, s1;
	[sflag:s8] =	ssyncadd.s32 $0xFFFFC000  }
0xca: {  	[hbm4b:s30+s2] =	stream.linear.scatter [tilespmem:s6], [sflag:$0x3], $0x4000, $0x38;
	[tilespmem:$0x8100] =	vst v63  }
0xcb: {  	_ =	swait.ge [sflag:s3], $0x4000  }
0xcc: {  	s1 =	rddreg [dreg:$0xd]  }
0xcd: {  	s1 =	ssub.s32 $0x2, s1  }
0xce: {  	s31 =	sshrl.u32 s1, $0x1  }
0xcf: {  	s1 =	ssub.s32 s1, s31  }
0xd0: {  	[sflag:s3] =	ssyncset.done $0x0;
	s1 =	smax.u32 s1, $0x1  }
0xd1: {  	[sflag:s3] =	ssyncadd.s32 $0xFFFFC000;
	p0 =	sne.s32 s1, $0x1  }
.Ltmp0:
0xd2: {  	_ =	swait.ge [sflag:s9], $0x4000;
	(pc) =	sbr.rel @!p0 .LBB2_2-.Ltmp0, $4  }
0xd3: {  	s0 =	sshll.u32 s0, $0x4;
	[sflag:s9] =	ssyncset.done $0x0;
	s31 =	rddreg [dreg:$0xe]  }
0xd4: {  	s31 =	sadd.s32 s31, s0;
	[sflag:s9] =	ssyncadd.s32 $0xFFFFC000  }
0xd5: {  	[hbm4b:s31+s2] =	stream.linear.scatter [tilespmem:s7], [sflag:$0x3], $0x4000, $0x38;
	[tilespmem:$0x8100] =	vst v63  }
0xd6: {  	s1 =	sadd.s32 $0xFFFFFFFF, s1;
	_ =	swait.ge [sflag:s3], $0x4000  }
.LBB2_1:
0xd7: {  	[sflag:s3] =	ssyncset.done $0x0  }
0xd8: {  	s0 =	rddreg [dreg:$0x2];
	[sflag:s3] =	ssyncadd.s32 $0xFFFFC000  }
0xd9: {  	[tilespmem:s2], [sflag:$0x3] =	stream.linear.gather [hbm4b:s0+s2], $0x80, $0x38;
	[tilespmem:$0x8100] =	vst v63  }
0xda: {  	_ =	swait.ge [sflag:s3], $0x80  }
0xdb: {  	[sflag:s3] =	ssyncset.done $0x0  }
0xdc: {  	[sflag:s3] =	ssyncadd.s32 $0xFFFFFF80  }
0xdd: {  	[tilespmem:s6], [sflag:$0x1] =	stream.indirect.gather [hbm4b:s4+s5], $0x80, s2, s5, $0xb8;
	[tilespmem:$0x8100] =	vst v63  }
0xde: {  	s0 =	rddreg [dreg:$0x3]  }
0xdf: {  	[tilespmem:s5], [sflag:$0x3] =	stream.linear.gather [hbm4b:s0+s2], $0x80, $0x38;
	[tilespmem:$0x8100] =	vst v63  }
0xe0: {  	_ =	swait.ge [sflag:s3], $0x80  }
0xe1: {  	[sflag:s3] =	ssyncset.done $0x0  }
0xe2: {  	[sflag:s3] =	ssyncadd.s32 $0xFFFFFF80  }
0xe3: {  	[tilespmem:s7], [sflag:$0x2] =	stream.indirect.gather [hbm4b:s4+s5], $0x80, s5, s5, $0xb8;
	[tilespmem:$0x8100] =	vst v63  }
0xe4: {  	_ =	swait.ge [sflag:s8], $0x4000  }
0xe5: {  	[sflag:s8] =	ssyncset.done $0x0  }
0xe6: {  	s0 =	rddreg [dreg:$0x4];
	[sflag:s8] =	ssyncadd.s32 $0xFFFFC000  }
0xe7: {  	[hbm4b:s0+s2] =	stream.linear.scatter [tilespmem:s6], [sflag:$0x3], $0x4000, $0x38;
	[tilespmem:$0x8100] =	vst v63  }
0xe8: {  	_ =	swait.ge [sflag:s3], $0x4000  }
0xe9: {  	[sflag:s3] =	ssyncset.done $0x0  }
0xea: {  	s0 =	rddreg [dreg:$0x5];
	[sflag:s3] =	ssyncadd.s32 $0xFFFFC000  }
0xeb: {  	[tilespmem:s2], [sflag:$0x3] =	stream.linear.gather [hbm4b:s0+s2], $0x80, $0x38;
	[tilespmem:$0x8100] =	vst v63  }
0xec: {  	_ =	swait.ge [sflag:s3], $0x80  }
0xed: {  	[sflag:s3] =	ssyncset.done $0x0  }
0xee: {  	[sflag:s3] =	ssyncadd.s32 $0xFFFFFF80  }
0xef: {  	[tilespmem:s6], [sflag:$0x1] =	stream.indirect.gather [hbm4b:s4+s5], $0x80, s2, s5, $0xb8;
	[tilespmem:$0x8100] =	vst v63  }
0xf0: {  	_ =	swait.ge [sflag:s9], $0x4000  }
0xf1: {  	[sflag:s9] =	ssyncset.done $0x0  }
0xf2: {  	s0 =	rddreg [dreg:$0x6];
	[sflag:s9] =	ssyncadd.s32 $0xFFFFC000  }
0xf3: {  	[hbm4b:s0+s2] =	stream.linear.scatter [tilespmem:s7], [sflag:$0x3], $0x4000, $0x38;
	[tilespmem:$0x8100] =	vst v63  }
0xf4: {  	_ =	swait.ge [sflag:s3], $0x4000  }
0xf5: {  	[sflag:s3] =	ssyncset.done $0x0  }
0xf6: {  	s0 =	rddreg [dreg:$0x7];
	[sflag:s3] =	ssyncadd.s32 $0xFFFFC000  }
0xf7: {  	[tilespmem:s5], [sflag:$0x3] =	stream.linear.gather [hbm4b:s0+s2], $0x80, $0x38;
	[tilespmem:$0x8100] =	vst v63  }
0xf8: {  	_ =	swait.ge [sflag:s3], $0x80  }
0xf9: {  	[sflag:s3] =	ssyncset.done $0x0  }
0xfa: {  	[sflag:s3] =	ssyncadd.s32 $0xFFFFFF80  }
0xfb: {  	[tilespmem:s7], [sflag:$0x2] =	stream.indirect.gather [hbm4b:s4+s5], $0x80, s5, s5, $0xb8;
	[tilespmem:$0x8100] =	vst v63  }
0xfc: {  	_ =	swait.ge [sflag:s8], $0x4000  }
0xfd: {  	[sflag:s8] =	ssyncset.done $0x0  }
0xfe: {  	s0 =	rddreg [dreg:$0x8];
	[sflag:s8] =	ssyncadd.s32 $0xFFFFC000  }
0xff: {  	[hbm4b:s0+s2] =	stream.linear.scatter [tilespmem:s6], [sflag:$0x3], $0x4000, $0x38;
	[tilespmem:$0x8100] =	vst v63  }
0x100: {  	_ =	swait.ge [sflag:s3], $0x4000  }
0x101: {  	[sflag:s3] =	ssyncset.done $0x0  }
0x102: {  	s0 =	rddreg [dreg:$0x9];
	[sflag:s3] =	ssyncadd.s32 $0xFFFFC000  }
0x103: {  	[tilespmem:s2], [sflag:$0x3] =	stream.linear.gather [hbm4b:s0+s2], $0x80, $0x38;
	[tilespmem:$0x8100] =	vst v63  }
0x104: {  	_ =	swait.ge [sflag:s3], $0x80  }
0x105: {  	[sflag:s3] =	ssyncset.done $0x0  }
0x106: {  	[sflag:s3] =	ssyncadd.s32 $0xFFFFFF80  }
0x107: {  	[tilespmem:s6], [sflag:$0x1] =	stream.indirect.gather [hbm4b:s4+s5], $0x80, s2, s5, $0xb8;
	[tilespmem:$0x8100] =	vst v63  }
0x108: {  	_ =	swait.ge [sflag:s9], $0x4000  }
0x109: {  	[sflag:s9] =	ssyncset.done $0x0  }
0x10a: {  	s0 =	rddreg [dreg:$0xa];
	[sflag:s9] =	ssyncadd.s32 $0xFFFFC000  }
0x10b: {  	[hbm4b:s0+s2] =	stream.linear.scatter [tilespmem:s7], [sflag:$0x3], $0x4000, $0x38;
	[tilespmem:$0x8100] =	vst v63  }
0x10c: {  	_ =	swait.ge [sflag:s3], $0x4000  }
0x10d: {  	[sflag:s3] =	ssyncset.done $0x0  }
0x10e: {  	s0 =	rddreg [dreg:$0xb];
	[sflag:s3] =	ssyncadd.s32 $0xFFFFC000  }
0x10f: {  	[tilespmem:s5], [sflag:$0x3] =	stream.linear.gather [hbm4b:s0+s2], $0x80, $0x38;
	[tilespmem:$0x8100] =	vst v63  }
0x110: {  	_ =	swait.ge [sflag:s3], $0x80  }
0x111: {  	[sflag:s3] =	ssyncset.done $0x0  }
0x112: {  	[sflag:s3] =	ssyncadd.s32 $0xFFFFFF80  }
0x113: {  	[tilespmem:s7], [sflag:$0x2] =	stream.indirect.gather [hbm4b:s4+s5], $0x80, s5, s5, $0xb8;
	[tilespmem:$0x8100] =	vst v63  }
0x114: {  	_ =	swait.ge [sflag:s8], $0x4000  }
0x115: {  	[sflag:s8] =	ssyncset.done $0x0  }
0x116: {  	s0 =	rddreg [dreg:$0xc];
	[sflag:s8] =	ssyncadd.s32 $0xFFFFC000  }
0x117: {  	[hbm4b:s0+s2] =	stream.linear.scatter [tilespmem:s6], [sflag:$0x3], $0x4000, $0x38;
	[tilespmem:$0x8100] =	vst v63  }
0x118: {  	_ =	swait.ge [sflag:s3], $0x4000  }
0x119: {  	[sflag:s3] =	ssyncset.done $0x0  }
0x11a: {  	[sflag:s3] =	ssyncadd.s32 $0xFFFFC000  }
0x11b: {  	[tilespmem:s2], [sflag:$0x3] =	stream.linear.gather [hbm4b:s10+s2], $0x80, $0x38;
	[tilespmem:$0x8100] =	vst v63  }
0x11c: {  	_ =	swait.ge [sflag:s3], $0x80  }
0x11d: {  	[sflag:s3] =	ssyncset.done $0x0  }
0x11e: {  	[sflag:s3] =	ssyncadd.s32 $0xFFFFFF80  }
0x11f: {  	[tilespmem:s6], [sflag:$0x1] =	stream.indirect.gather [hbm4b:s4+s5], $0x80, s2, s5, $0xb8;
	[tilespmem:$0x8100] =	vst v63  }
0x120: {  	_ =	swait.ge [sflag:s9], $0x4000  }
0x121: {  	[sflag:s9] =	ssyncset.done $0x0  }
0x122: {  	[sflag:s9] =	ssyncadd.s32 $0xFFFFC000  }
0x123: {  	[hbm4b:s11+s2] =	stream.linear.scatter [tilespmem:s7], [sflag:$0x3], $0x4000, $0x38;
	[tilespmem:$0x8100] =	vst v63  }
0x124: {  	_ =	swait.ge [sflag:s3], $0x4000  }
0x125: {  	[sflag:s3] =	ssyncset.done $0x0  }
0x126: {  	[sflag:s3] =	ssyncadd.s32 $0xFFFFC000  }
0x127: {  	[tilespmem:s5], [sflag:$0x3] =	stream.linear.gather [hbm4b:s12+s2], $0x80, $0x38;
	[tilespmem:$0x8100] =	vst v63  }
0x128: {  	_ =	swait.ge [sflag:s3], $0x80  }
0x129: {  	[sflag:s3] =	ssyncset.done $0x0  }
0x12a: {  	[sflag:s3] =	ssyncadd.s32 $0xFFFFFF80  }
0x12b: {  	[tilespmem:s7], [sflag:$0x2] =	stream.indirect.gather [hbm4b:s4+s5], $0x80, s5, s5, $0xb8;
	[tilespmem:$0x8100] =	vst v63  }
0x12c: {  	_ =	swait.ge [sflag:s8], $0x4000  }
0x12d: {  	[sflag:s8] =	ssyncset.done $0x0  }
0x12e: {  	[sflag:s8] =	ssyncadd.s32 $0xFFFFC000  }
0x12f: {  	[hbm4b:s13+s2] =	stream.linear.scatter [tilespmem:s6], [sflag:$0x3], $0x4000, $0x38;
	[tilespmem:$0x8100] =	vst v63  }
0x130: {  	_ =	swait.ge [sflag:s3], $0x4000  }
0x131: {  	[sflag:s3] =	ssyncset.done $0x0  }
0x132: {  	[sflag:s3] =	ssyncadd.s32 $0xFFFFC000  }
0x133: {  	[tilespmem:s2], [sflag:$0x3] =	stream.linear.gather [hbm4b:s14+s2], $0x80, $0x38;
	[tilespmem:$0x8100] =	vst v63  }
0x134: {  	_ =	swait.ge [sflag:s3], $0x80  }
0x135: {  	[sflag:s3] =	ssyncset.done $0x0  }
0x136: {  	[sflag:s3] =	ssyncadd.s32 $0xFFFFFF80  }
0x137: {  	[tilespmem:s6], [sflag:$0x1] =	stream.indirect.gather [hbm4b:s4+s5], $0x80, s2, s5, $0xb8;
	[tilespmem:$0x8100] =	vst v63  }
0x138: {  	_ =	swait.ge [sflag:s9], $0x4000  }
0x139: {  	[sflag:s9] =	ssyncset.done $0x0  }
0x13a: {  	[sflag:s9] =	ssyncadd.s32 $0xFFFFC000  }
0x13b: {  	[hbm4b:s15+s2] =	stream.linear.scatter [tilespmem:s7], [sflag:$0x3], $0x4000, $0x38;
	[tilespmem:$0x8100] =	vst v63  }
0x13c: {  	_ =	swait.ge [sflag:s3], $0x4000  }
0x13d: {  	[sflag:s3] =	ssyncset.done $0x0  }
0x13e: {  	[sflag:s3] =	ssyncadd.s32 $0xFFFFC000  }
0x13f: {  	[tilespmem:s5], [sflag:$0x3] =	stream.linear.gather [hbm4b:s16+s2], $0x80, $0x38;
	[tilespmem:$0x8100] =	vst v63  }
0x140: {  	_ =	swait.ge [sflag:s3], $0x80  }
0x141: {  	[sflag:s3] =	ssyncset.done $0x0  }
0x142: {  	[sflag:s3] =	ssyncadd.s32 $0xFFFFFF80  }
0x143: {  	[tilespmem:s7], [sflag:$0x2] =	stream.indirect.gather [hbm4b:s4+s5], $0x80, s5, s5, $0xb8;
	[tilespmem:$0x8100] =	vst v63  }
0x144: {  	_ =	swait.ge [sflag:s8], $0x4000  }
0x145: {  	[sflag:s8] =	ssyncset.done $0x0  }
0x146: {  	[sflag:s8] =	ssyncadd.s32 $0xFFFFC000  }
0x147: {  	[hbm4b:s17+s2] =	stream.linear.scatter [tilespmem:s6], [sflag:$0x3], $0x4000, $0x38;
	[tilespmem:$0x8100] =	vst v63  }
0x148: {  	_ =	swait.ge [sflag:s3], $0x4000  }
0x149: {  	[sflag:s3] =	ssyncset.done $0x0  }
0x14a: {  	[sflag:s3] =	ssyncadd.s32 $0xFFFFC000  }
0x14b: {  	[tilespmem:s2], [sflag:$0x3] =	stream.linear.gather [hbm4b:s18+s2], $0x80, $0x38;
	[tilespmem:$0x8100] =	vst v63  }
0x14c: {  	_ =	swait.ge [sflag:s3], $0x80  }
0x14d: {  	[sflag:s3] =	ssyncset.done $0x0  }
0x14e: {  	[sflag:s3] =	ssyncadd.s32 $0xFFFFFF80  }
0x14f: {  	[tilespmem:s6], [sflag:$0x1] =	stream.indirect.gather [hbm4b:s4+s5], $0x80, s2, s5, $0xb8;
	[tilespmem:$0x8100] =	vst v63  }
0x150: {  	_ =	swait.ge [sflag:s9], $0x4000  }
0x151: {  	[sflag:s9] =	ssyncset.done $0x0  }
0x152: {  	[sflag:s9] =	ssyncadd.s32 $0xFFFFC000  }
0x153: {  	[hbm4b:s19+s2] =	stream.linear.scatter [tilespmem:s7], [sflag:$0x3], $0x4000, $0x38;
	[tilespmem:$0x8100] =	vst v63  }
0x154: {  	_ =	swait.ge [sflag:s3], $0x4000  }
0x155: {  	[sflag:s3] =	ssyncset.done $0x0  }
0x156: {  	[sflag:s3] =	ssyncadd.s32 $0xFFFFC000  }
0x157: {  	[tilespmem:s5], [sflag:$0x3] =	stream.linear.gather [hbm4b:s20+s2], $0x80, $0x38;
	[tilespmem:$0x8100] =	vst v63  }
0x158: {  	_ =	swait.ge [sflag:s3], $0x80  }
0x159: {  	[sflag:s3] =	ssyncset.done $0x0  }
0x15a: {  	[sflag:s3] =	ssyncadd.s32 $0xFFFFFF80  }
0x15b: {  	[tilespmem:s7], [sflag:$0x2] =	stream.indirect.gather [hbm4b:s4+s5], $0x80, s5, s5, $0xb8;
	[tilespmem:$0x8100] =	vst v63  }
0x15c: {  	_ =	swait.ge [sflag:s8], $0x4000  }
0x15d: {  	[sflag:s8] =	ssyncset.done $0x0  }
0x15e: {  	[sflag:s8] =	ssyncadd.s32 $0xFFFFC000  }
0x15f: {  	[hbm4b:s21+s2] =	stream.linear.scatter [tilespmem:s6], [sflag:$0x3], $0x4000, $0x38;
	[tilespmem:$0x8100] =	vst v63  }
0x160: {  	_ =	swait.ge [sflag:s3], $0x4000  }
0x161: {  	[sflag:s3] =	ssyncset.done $0x0  }
0x162: {  	[sflag:s3] =	ssyncadd.s32 $0xFFFFC000  }
0x163: {  	[tilespmem:s2], [sflag:$0x3] =	stream.linear.gather [hbm4b:s22+s2], $0x80, $0x38;
	[tilespmem:$0x8100] =	vst v63  }
0x164: {  	_ =	swait.ge [sflag:s3], $0x80  }
0x165: {  	[sflag:s3] =	ssyncset.done $0x0  }
0x166: {  	[sflag:s3] =	ssyncadd.s32 $0xFFFFFF80  }
0x167: {  	[tilespmem:s6], [sflag:$0x1] =	stream.indirect.gather [hbm4b:s4+s5], $0x80, s2, s5, $0xb8;
	[tilespmem:$0x8100] =	vst v63  }
0x168: {  	_ =	swait.ge [sflag:s9], $0x4000  }
0x169: {  	[sflag:s9] =	ssyncset.done $0x0  }
0x16a: {  	[sflag:s9] =	ssyncadd.s32 $0xFFFFC000  }
0x16b: {  	[hbm4b:s23+s2] =	stream.linear.scatter [tilespmem:s7], [sflag:$0x3], $0x4000, $0x38;
	[tilespmem:$0x8100] =	vst v63  }
0x16c: {  	_ =	swait.ge [sflag:s3], $0x4000  }
0x16d: {  	[sflag:s3] =	ssyncset.done $0x0  }
0x16e: {  	[sflag:s3] =	ssyncadd.s32 $0xFFFFC000  }
0x16f: {  	[tilespmem:s5], [sflag:$0x3] =	stream.linear.gather [hbm4b:s24+s2], $0x80, $0x38;
	[tilespmem:$0x8100] =	vst v63  }
0x170: {  	_ =	swait.ge [sflag:s3], $0x80  }
0x171: {  	[sflag:s3] =	ssyncset.done $0x0  }
0x172: {  	[sflag:s3] =	ssyncadd.s32 $0xFFFFFF80  }
0x173: {  	[tilespmem:s7], [sflag:$0x2] =	stream.indirect.gather [hbm4b:s4+s5], $0x80, s5, s5, $0xb8;
	[tilespmem:$0x8100] =	vst v63  }
0x174: {  	_ =	swait.ge [sflag:s8], $0x4000  }
0x175: {  	[sflag:s8] =	ssyncset.done $0x0  }
0x176: {  	[sflag:s8] =	ssyncadd.s32 $0xFFFFC000  }
0x177: {  	[hbm4b:s25+s2] =	stream.linear.scatter [tilespmem:s6], [sflag:$0x3], $0x4000, $0x38;
	[tilespmem:$0x8100] =	vst v63  }
0x178: {  	_ =	swait.ge [sflag:s3], $0x4000  }
0x179: {  	[sflag:s3] =	ssyncset.done $0x0  }
0x17a: {  	[sflag:s3] =	ssyncadd.s32 $0xFFFFC000  }
0x17b: {  	[tilespmem:s2], [sflag:$0x3] =	stream.linear.gather [hbm4b:s26+s2], $0x80, $0x38;
	[tilespmem:$0x8100] =	vst v63  }
0x17c: {  	_ =	swait.ge [sflag:s3], $0x80  }
0x17d: {  	[sflag:s3] =	ssyncset.done $0x0  }
0x17e: {  	[sflag:s3] =	ssyncadd.s32 $0xFFFFFF80  }
0x17f: {  	[tilespmem:s6], [sflag:$0x1] =	stream.indirect.gather [hbm4b:s4+s5], $0x80, s2, s5, $0xb8;
	[tilespmem:$0x8100] =	vst v63  }
0x180: {  	_ =	swait.ge [sflag:s9], $0x4000  }
0x181: {  	[sflag:s9] =	ssyncset.done $0x0  }
0x182: {  	[sflag:s9] =	ssyncadd.s32 $0xFFFFC000  }
0x183: {  	[hbm4b:s28+s2] =	stream.linear.scatter [tilespmem:s7], [sflag:$0x3], $0x4000, $0x38;
	[tilespmem:$0x8100] =	vst v63  }
0x184: {  	_ =	swait.ge [sflag:s3], $0x4000  }
0x185: {  	[sflag:s3] =	ssyncset.done $0x0  }
0x186: {  	[sflag:s3] =	ssyncadd.s32 $0xFFFFC000  }
0x187: {  	[tilespmem:s5], [sflag:$0x3] =	stream.linear.gather [hbm4b:s29+s2], $0x80, $0x38;
	[tilespmem:$0x8100] =	vst v63  }
0x188: {  	_ =	swait.ge [sflag:s3], $0x80  }
0x189: {  	[sflag:s3] =	ssyncset.done $0x0  }
0x18a: {  	[sflag:s3] =	ssyncadd.s32 $0xFFFFFF80  }
0x18b: {  	[tilespmem:s7], [sflag:$0x2] =	stream.indirect.gather [hbm4b:s4+s5], $0x80, s5, s5, $0xb8;
	[tilespmem:$0x8100] =	vst v63  }
0x18c: {  	_ =	swait.ge [sflag:s8], $0x4000  }
0x18d: {  	[sflag:s8] =	ssyncset.done $0x0  }
0x18e: {  	[sflag:s8] =	ssyncadd.s32 $0xFFFFC000  }
0x18f: {  	[hbm4b:s30+s2] =	stream.linear.scatter [tilespmem:s6], [sflag:$0x3], $0x4000, $0x38;
	[tilespmem:$0x8100] =	vst v63  }
0x190: {  	_ =	swait.ge [sflag:s3], $0x4000  }
0x191: {  	[sflag:s3] =	ssyncset.done $0x0  }
0x192: {  	p0 =	sne.s32 s1, $0x1;
	[sflag:s3] =	ssyncadd.s32 $0xFFFFC000  }
.Ltmp1:
0x193: {  	_ =	swait.ge [sflag:s9], $0x4000;
	(pc) =	sbr.rel @p0 .LBB2_1-.Ltmp1, $4  }
0x194: {  	[sflag:s9] =	ssyncset.done $0x0  }
0x195: {  	[sflag:s9] =	ssyncadd.s32 $0xFFFFC000  }
0x196: {  	[hbm4b:s31+s2] =	stream.linear.scatter [tilespmem:s7], [sflag:$0x3], $0x4000, $0x38;
	[tilespmem:$0x8100] =	vst v63  }
0x197: {  	s1 =	sadd.s32 $0xFFFFFFFF, s1;
	_ =	swait.ge [sflag:s3], $0x4000  }
.LBB2_2:
0x198: {  	[sflag:s3] =	ssyncset.done $0x0  }
0x199: {  	[sflag:s3] =	ssyncadd.s32 $0xFFFFC000  }
0x19a: {  	_ =	sfence.sel $0x180000  }
0x19b: {  	[bflag:$0x0] =	sbarrier.arrive $0xFFFF  }
0x19c: {  	_ =	strace $0x90000047  }
0x19d: {  	s0 =	stileid.u32;
	[bflag:$0x2] =	sbarrier.arrive $0xFFFF  }
0x19e: {  	p0 =	sne.s32 s0, $0x0;
	s0 =	rddreg [dreg:$0x1]  }
0x19f: {  	s0 =	sadd.s32 @!p0 $0x100000, s0  }
0x1a0: {  	[sflag:s0] =	ssyncadd.tile.s32 @!p0 $0x1;
	_ =	shalt  }
.Lfunc_end2:
_tile_overlayer_lowered:
.L_overlay_start_2:
0x1a1: {  	(tag) =	ssettag $0x2  }
0x1a2: {  	s0 =	rddreg [dreg:$0x0];
	s2 =	stileid.u32  }
0x1a3: {  	s1 =	rddreg [dreg:$0x1];
	p0 =	sne.s32 s2, $0x0  }
0x1a4: {  	s3 =	rddreg [dreg:$0x2];
	[bflag:$0x3] =	sbarrier.arrive $0xFFFF;
	s2 =	simm.s32 @!p0 $0x1C03  }
0x1a5: {  	[timem:s3], [sflag:s2] =	dma.local @!p0 [hbm:s0], s1  }
0x1a6: {  	s0 =	simm.s32 @!p0 $0x3  }
0x1a7: {  	_ =	swait.ge @!p0 [sflag:s0], s1  }
0x1a8: {  	s1 =	ssub.s32 @!p0 $0x0, s1;
	[sflag:s0] =	ssyncset.done @!p0 $0x0  }
0x1a9: {  	[sflag:s0] =	ssyncadd.s32 @!p0 s1  }
0x1aa: {  	[bflag:$0x3] =	sbarrier.arrive $0xFFFF  }
0x1ab: {  	_ =	shalt  }

</sc_bundles>
